<compile_context>
chip_gen: v7x
topology: tpu7x:2x2x1
jax: 0.10.2.dev20260603
libtpu: 0.0.44.dev20260713+nightly
codegen_flags: <defaults>
</compile_context>

<pallas_src>
import functools
import math

import jax
import jax.numpy as jnp
from jax import lax
from jax.experimental import pallas as pl
from jax.experimental.pallas import tpu as pltpu
from jax.experimental.pallas import tpu_sc as plsc

D_MODEL = 64
SCALE = math.sqrt(D_MODEL)
LANES = 16
NBUF = 4
ROW_UNROLL = 4


@functools.lru_cache(maxsize=None)
def _make_emb(R, T):
    info = plsc.get_sparse_core_info()
    nw = info.num_cores * info.num_subcores
    r_per_w = R // nw
    mesh = plsc.VectorSubcoreMesh(core_axis_name="c", subcore_axis_name="s")

    @functools.partial(
        pl.kernel,
        mesh=mesh,
        out_type=jax.ShapeDtypeStruct((R, T, D_MODEL), jnp.float32),
        scratch_types=[
            pltpu.VMEM((r_per_w, T), jnp.int32),
            *[pltpu.VMEM((T, D_MODEL), jnp.float32) for _ in range(NBUF)],
            *[pltpu.SemaphoreType.DMA for _ in range(NBUF)],
        ],
        compiler_params=pltpu.CompilerParams(use_tc_tiling_on_sc=False),
    )
    def emb(x_hbm, table_hbm, out_hbm, idx_v, *bufs_sems):
        bufs = bufs_sems[:NBUF]
        sems = bufs_sems[NBUF:]
        wid = lax.axis_index("s") * info.num_cores + lax.axis_index("c")
        r_base = wid * r_per_w

        pltpu.sync_copy(x_hbm.at[pl.ds(r_base, r_per_w)], idx_v)

        for b in range(NBUF):
            pltpu.async_copy(table_hbm.at[idx_v.at[b]], bufs[b], sems[b])

        def group_body(g, carry):
            for b in range(NBUF):
                j = g * NBUF + b
                buf = bufs[b]
                pltpu.make_async_copy(
                    table_hbm.at[idx_v.at[j]], buf, sems[b]
                ).wait()

                def scale_rows(rq, c2):
                    r0 = rq * ROW_UNROLL
                    for rr in range(ROW_UNROLL):
                        for c in range(D_MODEL // LANES):
                            sl = pl.ds(c * LANES, LANES)
                            buf[r0 + rr, sl] = buf[r0 + rr, sl] * SCALE
                    return c2

                lax.fori_loop(0, T // ROW_UNROLL, scale_rows, 0)

                pltpu.sync_copy(buf, out_hbm.at[r_base + j])

                @pl.when(j + NBUF < r_per_w)
                def _():
                    pltpu.async_copy(table_hbm.at[idx_v.at[j + NBUF]], buf, sems[b])

            return carry

        lax.fori_loop(0, r_per_w // NBUF, group_body, 0)

    return emb


def kernel(x, table):
    return _make_emb(x.shape[0], x.shape[1])(x.astype(jnp.int32), table)

# --- scband reference (transcript-rebuilt; emitter-appended) ---
"""Pipeline reference for scband-token-embedding-9242769621453 (READ-ONLY COPY).

The authoritative reference and input builder live on the scoring server;
editing this copy changes nothing except your own understanding.
"""

import jax, jax.numpy as jnp
import numpy as np
import math

VOCAB = 1000000
D_MODEL = 64

def setup_inputs(seed: int = 0) -> dict:
    key = jax.random.key(seed)
    k_idx, k_tab = jax.random.split(key)
    x = jax.random.randint(k_idx, (4096, 200), 0, VOCAB, dtype=jnp.int64 if jax.config.read('jax_enable_x64') else jnp.int32)
    table = jax.random.normal(k_tab, (VOCAB, D_MODEL), dtype=jnp.float32)
    return {"x": x, "table": table}

def reference(x, table):
    emb = jnp.take(table, x, axis=0)
    return emb * math.sqrt(D_MODEL)

if __name__ == "__main__":
    import jax
    _d = setup_inputs()
    print(jax.jit(kernel)(*tuple(_d.values())))

</pallas_src>

<mosaic_0001>
#map = affine_map<(d0, d1) -> (0, 0)>
#map1 = affine_map<(d0, d1) -> (0, 0, 0)>
module attributes {stable_mosaic.version = 14 : i64} {
  func.func @emb(%arg0: i32, %arg1: i32, %arg2: memref<4096x200xi32, #tpu.memory_space<hbm>>, %arg3: memref<1000000x64xf32, #tpu.memory_space<hbm>>, %arg4: memref<4096x200x64xf32, #tpu.memory_space<hbm>>, %arg5: memref<128x200xi32, #tpu.memory_space<vmem>>, %arg6: memref<200x64xf32, #tpu.memory_space<vmem>>, %arg7: memref<200x64xf32, #tpu.memory_space<vmem>>, %arg8: memref<200x64xf32, #tpu.memory_space<vmem>>, %arg9: memref<200x64xf32, #tpu.memory_space<vmem>>, %arg10: memref<!tpu.dma_semaphore, #tpu.memory_space<semaphore_mem>>, %arg11: memref<!tpu.dma_semaphore, #tpu.memory_space<semaphore_mem>>, %arg12: memref<!tpu.dma_semaphore, #tpu.memory_space<semaphore_mem>>, %arg13: memref<!tpu.dma_semaphore, #tpu.memory_space<semaphore_mem>>) attributes {dimension_semantics = [#tpu.dimension_semantics<core_parallel>, #tpu.dimension_semantics<subcore_parallel>], iteration_bounds = array<i64: 2, 16>, scalar_prefetch = 0 : i64, scratch_operands = 9 : i64, tpu.core_type = #tpu.core_type<sc_vector_subcore>, window_params = [{transform_indices = #map}, {transform_indices = #map}, {transform_indices = #map1}]} {
    %mul3A = arith.constant 2 : i32
    %mul3A_0 = arith.muli %arg1, %mul3A : i32
    %add3A = arith.addi %mul3A_0, %arg0 : i32
    %mul3A_1 = arith.constant 128 : i32
    %mul3A_2 = arith.muli %add3A, %mul3A_1 : i32
    "tpu.region"() ({
      %run_scoped3A = tpu.sem_alloc : memref<!tpu.dma_semaphore, #tpu.memory_space<semaphore_mem>>
      %dma_start3A_35 = arith.constant 0 : i32
      %dma_start3A_36 = tpu.memref_slice %arg2[%mul3A_2, %dma_start3A_35] : memref<4096x200xi32, #tpu.memory_space<hbm>> -> memref<128x200xi32, #tpu.memory_space<hbm>>
      %dma_start3A_37 = arith.constant 0 : i32
      %dma_start3A_38 = tpu.memref_slice %arg2[%mul3A_2, %dma_start3A_37] : memref<4096x200xi32, #tpu.memory_space<hbm>> -> memref<128x200xi32, #tpu.memory_space<hbm>>
      tpu.enqueue_dma source(%dma_start3A_38 : memref<128x200xi32, #tpu.memory_space<hbm>>) target(%arg5 : memref<128x200xi32, #tpu.memory_space<vmem>>) target_semaphore(%run_scoped3A : memref<!tpu.dma_semaphore, #tpu.memory_space<semaphore_mem>>)
      %dma_wait3A = arith.constant 0 : i32
      %dma_wait3A_39 = tpu.memref_slice %arg2[%mul3A_2, %dma_wait3A] : memref<4096x200xi32, #tpu.memory_space<hbm>> -> memref<128x200xi32, #tpu.memory_space<hbm>>
      %dma_wait3A_40 = arith.constant 0 : i32
      %dma_wait3A_41 = tpu.memref_slice %arg2[%mul3A_2, %dma_wait3A_40] : memref<4096x200xi32, #tpu.memory_space<hbm>> -> memref<128x200xi32, #tpu.memory_space<hbm>>
      tpu.wait_dma2 semaphore(%run_scoped3A : memref<!tpu.dma_semaphore, #tpu.memory_space<semaphore_mem>>) src(%dma_wait3A_41 : memref<128x200xi32, #tpu.memory_space<hbm>>) dst(%arg5 : memref<128x200xi32, #tpu.memory_space<vmem>>)
      tpu.yield
    }) : () -> ()
    %dma_start3A = arith.constant 0 : i32
    %dma_start3A_3 = arith.constant 0 : i32
    %dma_start3A_4 = tpu.memref_slice %arg5[%dma_start3A, %dma_start3A_3] : memref<128x200xi32, #tpu.memory_space<vmem>> -> memref<1x200xi32, #tpu.memory_space<vmem>>
    %dma_start3A_5 = tpu.memref_squeeze %dma_start3A_4 : memref<1x200xi32, #tpu.memory_space<vmem>> -> memref<200xi32, #tpu.memory_space<vmem>>
    %dma_start3A_6 = arith.constant 0 : i32
    %dma_start3A_7 = arith.constant 0 : i32
    %dma_start3A_8 = tpu.memref_slice %arg3[%dma_start3A_6, %dma_start3A_7] : memref<1000000x64xf32, #tpu.memory_space<hbm>> -> memref<1000000x64xf32, #tpu.memory_space<hbm>>
    tpu.enqueue_indirect_dma source(%dma_start3A_8 : memref<1000000x64xf32, #tpu.memory_space<hbm>>) target(%arg6 : memref<200x64xf32, #tpu.memory_space<vmem>>) offsets(%dma_start3A_5 : memref<200xi32, #tpu.memory_space<vmem>>) semaphore(%arg10 : memref<!tpu.dma_semaphore, #tpu.memory_space<semaphore_mem>>)
    %dma_start3A_9 = arith.constant 1 : i32
    %dma_start3A_10 = arith.constant 0 : i32
    %dma_start3A_11 = tpu.memref_slice %arg5[%dma_start3A_9, %dma_start3A_10] : memref<128x200xi32, #tpu.memory_space<vmem>> -> memref<1x200xi32, #tpu.memory_space<vmem>>
    %dma_start3A_12 = tpu.memref_squeeze %dma_start3A_11 : memref<1x200xi32, #tpu.memory_space<vmem>> -> memref<200xi32, #tpu.memory_space<vmem>>
    %dma_start3A_13 = arith.constant 0 : i32
    %dma_start3A_14 = arith.constant 0 : i32
    %dma_start3A_15 = tpu.memref_slice %arg3[%dma_start3A_13, %dma_start3A_14] : memref<1000000x64xf32, #tpu.memory_space<hbm>> -> memref<1000000x64xf32, #tpu.memory_space<hbm>>
    tpu.enqueue_indirect_dma source(%dma_start3A_15 : memref<1000000x64xf32, #tpu.memory_space<hbm>>) target(%arg7 : memref<200x64xf32, #tpu.memory_space<vmem>>) offsets(%dma_start3A_12 : memref<200xi32, #tpu.memory_space<vmem>>) semaphore(%arg11 : memref<!tpu.dma_semaphore, #tpu.memory_space<semaphore_mem>>)
    %dma_start3A_16 = arith.constant 2 : i32
    %dma_start3A_17 = arith.constant 0 : i32
    %dma_start3A_18 = tpu.memref_slice %arg5[%dma_start3A_16, %dma_start3A_17] : memref<128x200xi32, #tpu.memory_space<vmem>> -> memref<1x200xi32, #tpu.memory_space<vmem>>
    %dma_start3A_19 = tpu.memref_squeeze %dma_start3A_18 : memref<1x200xi32, #tpu.memory_space<vmem>> -> memref<200xi32, #tpu.memory_space<vmem>>
    %dma_start3A_20 = arith.constant 0 : i32
    %dma_start3A_21 = arith.constant 0 : i32
    %dma_start3A_22 = tpu.memref_slice %arg3[%dma_start3A_20, %dma_start3A_21] : memref<1000000x64xf32, #tpu.memory_space<hbm>> -> memref<1000000x64xf32, #tpu.memory_space<hbm>>
    tpu.enqueue_indirect_dma source(%dma_start3A_22 : memref<1000000x64xf32, #tpu.memory_space<hbm>>) target(%arg8 : memref<200x64xf32, #tpu.memory_space<vmem>>) offsets(%dma_start3A_19 : memref<200xi32, #tpu.memory_space<vmem>>) semaphore(%arg12 : memref<!tpu.dma_semaphore, #tpu.memory_space<semaphore_mem>>)
    %dma_start3A_23 = arith.constant 3 : i32
    %dma_start3A_24 = arith.constant 0 : i32
    %dma_start3A_25 = tpu.memref_slice %arg5[%dma_start3A_23, %dma_start3A_24] : memref<128x200xi32, #tpu.memory_space<vmem>> -> memref<1x200xi32, #tpu.memory_space<vmem>>
    %dma_start3A_26 = tpu.memref_squeeze %dma_start3A_25 : memref<1x200xi32, #tpu.memory_space<vmem>> -> memref<200xi32, #tpu.memory_space<vmem>>
    %dma_start3A_27 = arith.constant 0 : i32
    %dma_start3A_28 = arith.constant 0 : i32
    %dma_start3A_29 = tpu.memref_slice %arg3[%dma_start3A_27, %dma_start3A_28] : memref<1000000x64xf32, #tpu.memory_space<hbm>> -> memref<1000000x64xf32, #tpu.memory_space<hbm>>
    tpu.enqueue_indirect_dma source(%dma_start3A_29 : memref<1000000x64xf32, #tpu.memory_space<hbm>>) target(%arg9 : memref<200x64xf32, #tpu.memory_space<vmem>>) offsets(%dma_start3A_26 : memref<200xi32, #tpu.memory_space<vmem>>) semaphore(%arg13 : memref<!tpu.dma_semaphore, #tpu.memory_space<semaphore_mem>>)
    %scan3A = arith.constant 0 : i32
    %scan3A_30 = arith.constant 0 : i32
    %scan3A_31 = arith.constant 32 : i32
    %scan3A_32 = arith.addi %scan3A_30, %scan3A_31 : i32
    %scan3A_33 = arith.constant 1 : i32
    scf.for %scan3A_35 = %scan3A_30 to %scan3A_32 step %scan3A_33  : i32 {
      %mul3A_36 = arith.constant 4 : i32
      %mul3A_37 = arith.muli %scan3A_35, %mul3A_36 : i32
      %add3A_38 = arith.constant 0 : i32
      %add3A_39 = arith.addi %mul3A_37, %add3A_38 : i32
      %dma_wait3A = arith.constant 0 : i32
      %dma_wait3A_40 = tpu.memref_slice %arg5[%add3A_39, %dma_wait3A] : memref<128x200xi32, #tpu.memory_space<vmem>> -> memref<1x200xi32, #tpu.memory_space<vmem>>
      %dma_wait3A_41 = tpu.memref_squeeze %dma_wait3A_40 : memref<1x200xi32, #tpu.memory_space<vmem>> -> memref<200xi32, #tpu.memory_space<vmem>>
      %dma_wait3A_42 = arith.constant 0 : i32
      %dma_wait3A_43 = arith.constant 0 : i32
      %dma_wait3A_44 = tpu.memref_slice %arg3[%dma_wait3A_42, %dma_wait3A_43] : memref<1000000x64xf32, #tpu.memory_space<hbm>> -> memref<1000000x64xf32, #tpu.memory_space<hbm>>
      tpu.wait_indirect_dma semaphore(%arg10 : memref<!tpu.dma_semaphore, #tpu.memory_space<semaphore_mem>>) src(%dma_wait3A_44 : memref<1000000x64xf32, #tpu.memory_space<hbm>>) dst(%arg6 : memref<200x64xf32, #tpu.memory_space<vmem>>)
      %scan3A_45 = arith.constant 0 : i32
      %scan3A_46 = arith.constant 0 : i32
      %scan3A_47 = arith.constant 50 : i32
      %scan3A_48 = arith.addi %scan3A_46, %scan3A_47 : i32
      %scan3A_49 = arith.constant 1 : i32
      scf.for %scan3A_128 = %scan3A_46 to %scan3A_48 step %scan3A_49  : i32 {
        %mul3A_129 = arith.constant 4 : i32
        %mul3A_130 = arith.muli %scan3A_128, %mul3A_129 : i32
        %add3A_131 = arith.constant 0 : i32
        %add3A_132 = arith.addi %mul3A_130, %add3A_131 : i32
        %get3A = arith.index_cast %add3A_132 : i32 to index
        %get3A_133 = arith.constant 0 : index
        %get3A_134 = tpu.vector_load %arg6[%get3A, %get3A_133] {strides = array<i32>} : memref<200x64xf32, #tpu.memory_space<vmem>>, vector<1x16xf32>,
        %get3A_135 = vector.shape_cast %get3A_134 : vector<1x16xf32> to vector<16xf32>
        %mul3A_136 = arith.constant 8.000000e+00 : f32
        %mul3A_137 = vector.broadcast %mul3A_136 : f32 to vector<16xf32>
        %mul3A_138 = arith.mulf %get3A_135, %mul3A_137 : vector<16xf32>
        %add3A_139 = arith.constant 0 : i32
        %add3A_140 = arith.addi %mul3A_130, %add3A_139 : i32
        %swap3A = arith.index_cast %add3A_140 : i32 to index
        %swap3A_141 = arith.constant 0 : index
        %swap3A_142 = tpu.vector_load %arg6[%swap3A, %swap3A_141] {strides = array<i32>} : memref<200x64xf32, #tpu.memory_space<vmem>>, vector<1x16xf32>,
        %swap3A_143 = vector.shape_cast %swap3A_142 : vector<1x16xf32> to vector<16xf32>
        %swap3A_144 = vector.shape_cast %mul3A_138 : vector<16xf32> to vector<1x16xf32>
        tpu.vector_store %arg6[%swap3A, %swap3A_141], %swap3A_144 {strides = array<i32>} : memref<200x64xf32, #tpu.memory_space<vmem>>, vector<1x16xf32>,
        %add3A_145 = arith.constant 0 : i32
        %add3A_146 = arith.addi %mul3A_130, %add3A_145 : i32
        %get3A_147 = arith.index_cast %add3A_146 : i32 to index
        %get3A_148 = arith.constant 16 : index
        %get3A_149 = tpu.vector_load %arg6[%get3A_147, %get3A_148] {strides = array<i32>} : memref<200x64xf32, #tpu.memory_space<vmem>>, vector<1x16xf32>,
        %get3A_150 = vector.shape_cast %get3A_149 : vector<1x16xf32> to vector<16xf32>
        %mul3A_151 = arith.constant 8.000000e+00 : f32
        %mul3A_152 = vector.broadcast %mul3A_151 : f32 to vector<16xf32>
        %mul3A_153 = arith.mulf %get3A_150, %mul3A_152 : vector<16xf32>
        %add3A_154 = arith.constant 0 : i32
        %add3A_155 = arith.addi %mul3A_130, %add3A_154 : i32
        %swap3A_156 = arith.index_cast %add3A_155 : i32 to index
        %swap3A_157 = arith.constant 16 : index
        %swap3A_158 = tpu.vector_load %arg6[%swap3A_156, %swap3A_157] {strides = array<i32>} : memref<200x64xf32, #tpu.memory_space<vmem>>, vector<1x16xf32>,
        %swap3A_159 = vector.shape_cast %swap3A_158 : vector<1x16xf32> to vector<16xf32>
        %swap3A_160 = vector.shape_cast %mul3A_153 : vector<16xf32> to vector<1x16xf32>
        tpu.vector_store %arg6[%swap3A_156, %swap3A_157], %swap3A_160 {strides = array<i32>} : memref<200x64xf32, #tpu.memory_space<vmem>>, vector<1x16xf32>,
        %add3A_161 = arith.constant 0 : i32
        %add3A_162 = arith.addi %mul3A_130, %add3A_161 : i32
        %get3A_163 = arith.index_cast %add3A_162 : i32 to index
        %get3A_164 = arith.constant 32 : index
        %get3A_165 = tpu.vector_load %arg6[%get3A_163, %get3A_164] {strides = array<i32>} : memref<200x64xf32, #tpu.memory_space<vmem>>, vector<1x16xf32>,
        %get3A_166 = vector.shape_cast %get3A_165 : vector<1x16xf32> to vector<16xf32>
        %mul3A_167 = arith.constant 8.000000e+00 : f32
        %mul3A_168 = vector.broadcast %mul3A_167 : f32 to vector<16xf32>
        %mul3A_169 = arith.mulf %get3A_166, %mul3A_168 : vector<16xf32>
        %add3A_170 = arith.constant 0 : i32
        %add3A_171 = arith.addi %mul3A_130, %add3A_170 : i32
        %swap3A_172 = arith.index_cast %add3A_171 : i32 to index
        %swap3A_173 = arith.constant 32 : index
        %swap3A_174 = tpu.vector_load %arg6[%swap3A_172, %swap3A_173] {strides = array<i32>} : memref<200x64xf32, #tpu.memory_space<vmem>>, vector<1x16xf32>,
        %swap3A_175 = vector.shape_cast %swap3A_174 : vector<1x16xf32> to vector<16xf32>
        %swap3A_176 = vector.shape_cast %mul3A_169 : vector<16xf32> to vector<1x16xf32>
        tpu.vector_store %arg6[%swap3A_172, %swap3A_173], %swap3A_176 {strides = array<i32>} : memref<200x64xf32, #tpu.memory_space<vmem>>, vector<1x16xf32>,
        %add3A_177 = arith.constant 0 : i32
        %add3A_178 = arith.addi %mul3A_130, %add3A_177 : i32
        %get3A_179 = arith.index_cast %add3A_178 : i32 to index
        %get3A_180 = arith.constant 48 : index
        %get3A_181 = tpu.vector_load %arg6[%get3A_179, %get3A_180] {strides = array<i32>} : memref<200x64xf32, #tpu.memory_space<vmem>>, vector<1x16xf32>,
        %get3A_182 = vector.shape_cast %get3A_181 : vector<1x16xf32> to vector<16xf32>
        %mul3A_183 = arith.constant 8.000000e+00 : f32
        %mul3A_184 = vector.broadcast %mul3A_183 : f32 to vector<16xf32>
        %mul3A_185 = arith.mulf %get3A_182, %mul3A_184 : vector<16xf32>
        %add3A_186 = arith.constant 0 : i32
        %add3A_187 = arith.addi %mul3A_130, %add3A_186 : i32
        %swap3A_188 = arith.index_cast %add3A_187 : i32 to index
        %swap3A_189 = arith.constant 48 : index
        %swap3A_190 = tpu.vector_load %arg6[%swap3A_188, %swap3A_189] {strides = array<i32>} : memref<200x64xf32, #tpu.memory_space<vmem>>, vector<1x16xf32>,
        %swap3A_191 = vector.shape_cast %swap3A_190 : vector<1x16xf32> to vector<16xf32>
        %swap3A_192 = vector.shape_cast %mul3A_185 : vector<16xf32> to vector<1x16xf32>
        tpu.vector_store %arg6[%swap3A_188, %swap3A_189], %swap3A_192 {strides = array<i32>} : memref<200x64xf32, #tpu.memory_space<vmem>>, vector<1x16xf32>,
        %add3A_193 = arith.constant 1 : i32
        %add3A_194 = arith.addi %mul3A_130, %add3A_193 : i32
        %get3A_195 = arith.index_cast %add3A_194 : i32 to index
        %get3A_196 = arith.constant 0 : index
        %get3A_197 = tpu.vector_load %arg6[%get3A_195, %get3A_196] {strides = array<i32>} : memref<200x64xf32, #tpu.memory_space<vmem>>, vector<1x16xf32>,
        %get3A_198 = vector.shape_cast %get3A_197 : vector<1x16xf32> to vector<16xf32>
        %mul3A_199 = arith.constant 8.000000e+00 : f32
        %mul3A_200 = vector.broadcast %mul3A_199 : f32 to vector<16xf32>
        %mul3A_201 = arith.mulf %get3A_198, %mul3A_200 : vector<16xf32>
        %add3A_202 = arith.constant 1 : i32
        %add3A_203 = arith.addi %mul3A_130, %add3A_202 : i32
        %swap3A_204 = arith.index_cast %add3A_203 : i32 to index
        %swap3A_205 = arith.constant 0 : index
        %swap3A_206 = tpu.vector_load %arg6[%swap3A_204, %swap3A_205] {strides = array<i32>} : memref<200x64xf32, #tpu.memory_space<vmem>>, vector<1x16xf32>,
        %swap3A_207 = vector.shape_cast %swap3A_206 : vector<1x16xf32> to vector<16xf32>
        %swap3A_208 = vector.shape_cast %mul3A_201 : vector<16xf32> to vector<1x16xf32>
        tpu.vector_store %arg6[%swap3A_204, %swap3A_205], %swap3A_208 {strides = array<i32>} : memref<200x64xf32, #tpu.memory_space<vmem>>, vector<1x16xf32>,
        %add3A_209 = arith.constant 1 : i32
        %add3A_210 = arith.addi %mul3A_130, %add3A_209 : i32
        %get3A_211 = arith.index_cast %add3A_210 : i32 to index
        %get3A_212 = arith.constant 16 : index
        %get3A_213 = tpu.vector_load %arg6[%get3A_211, %get3A_212] {strides = array<i32>} : memref<200x64xf32, #tpu.memory_space<vmem>>, vector<1x16xf32>,
        %get3A_214 = vector.shape_cast %get3A_213 : vector<1x16xf32> to vector<16xf32>
        %mul3A_215 = arith.constant 8.000000e+00 : f32
        %mul3A_216 = vector.broadcast %mul3A_215 : f32 to vector<16xf32>
        %mul3A_217 = arith.mulf %get3A_214, %mul3A_216 : vector<16xf32>
        %add3A_218 = arith.constant 1 : i32
        %add3A_219 = arith.addi %mul3A_130, %add3A_218 : i32
        %swap3A_220 = arith.index_cast %add3A_219 : i32 to index
        %swap3A_221 = arith.constant 16 : index
        %swap3A_222 = tpu.vector_load %arg6[%swap3A_220, %swap3A_221] {strides = array<i32>} : memref<200x64xf32, #tpu.memory_space<vmem>>, vector<1x16xf32>,
        %swap3A_223 = vector.shape_cast %swap3A_222 : vector<1x16xf32> to vector<16xf32>
        %swap3A_224 = vector.shape_cast %mul3A_217 : vector<16xf32> to vector<1x16xf32>
        tpu.vector_store %arg6[%swap3A_220, %swap3A_221], %swap3A_224 {strides = array<i32>} : memref<200x64xf32, #tpu.memory_space<vmem>>, vector<1x16xf32>,
        %add3A_225 = arith.constant 1 : i32
        %add3A_226 = arith.addi %mul3A_130, %add3A_225 : i32
        %get3A_227 = arith.index_cast %add3A_226 : i32 to index
        %get3A_228 = arith.constant 32 : index
        %get3A_229 = tpu.vector_load %arg6[%get3A_227, %get3A_228] {strides = array<i32>} : memref<200x64xf32, #tpu.memory_space<vmem>>, vector<1x16xf32>,
        %get3A_230 = vector.shape_cast %get3A_229 : vector<1x16xf32> to vector<16xf32>
        %mul3A_231 = arith.constant 8.000000e+00 : f32
        %mul3A_232 = vector.broadcast %mul3A_231 : f32 to vector<16xf32>
        %mul3A_233 = arith.mulf %get3A_230, %mul3A_232 : vector<16xf32>
        %add3A_234 = arith.constant 1 : i32
        %add3A_235 = arith.addi %mul3A_130, %add3A_234 : i32
        %swap3A_236 = arith.index_cast %add3A_235 : i32 to index
        %swap3A_237 = arith.constant 32 : index
        %swap3A_238 = tpu.vector_load %arg6[%swap3A_236, %swap3A_237] {strides = array<i32>} : memref<200x64xf32, #tpu.memory_space<vmem>>, vector<1x16xf32>,
        %swap3A_239 = vector.shape_cast %swap3A_238 : vector<1x16xf32> to vector<16xf32>
        %swap3A_240 = vector.shape_cast %mul3A_233 : vector<16xf32> to vector<1x16xf32>
        tpu.vector_store %arg6[%swap3A_236, %swap3A_237], %swap3A_240 {strides = array<i32>} : memref<200x64xf32, #tpu.memory_space<vmem>>, vector<1x16xf32>,
        %add3A_241 = arith.constant 1 : i32
        %add3A_242 = arith.addi %mul3A_130, %add3A_241 : i32
        %get3A_243 = arith.index_cast %add3A_242 : i32 to index
        %get3A_244 = arith.constant 48 : index
        %get3A_245 = tpu.vector_load %arg6[%get3A_243, %get3A_244] {strides = array<i32>} : memref<200x64xf32, #tpu.memory_space<vmem>>, vector<1x16xf32>,
        %get3A_246 = vector.shape_cast %get3A_245 : vector<1x16xf32> to vector<16xf32>
        %mul3A_247 = arith.constant 8.000000e+00 : f32
        %mul3A_248 = vector.broadcast %mul3A_247 : f32 to vector<16xf32>
        %mul3A_249 = arith.mulf %get3A_246, %mul3A_248 : vector<16xf32>
        %add3A_250 = arith.constant 1 : i32
        %add3A_251 = arith.addi %mul3A_130, %add3A_250 : i32
        %swap3A_252 = arith.index_cast %add3A_251 : i32 to index
        %swap3A_253 = arith.constant 48 : index
        %swap3A_254 = tpu.vector_load %arg6[%swap3A_252, %swap3A_253] {strides = array<i32>} : memref<200x64xf32, #tpu.memory_space<vmem>>, vector<1x16xf32>,
        %swap3A_255 = vector.shape_cast %swap3A_254 : vector<1x16xf32> to vector<16xf32>
        %swap3A_256 = vector.shape_cast %mul3A_249 : vector<16xf32> to vector<1x16xf32>
        tpu.vector_store %arg6[%swap3A_252, %swap3A_253], %swap3A_256 {strides = array<i32>} : memref<200x64xf32, #tpu.memory_space<vmem>>, vector<1x16xf32>,
        %add3A_257 = arith.constant 2 : i32
        %add3A_258 = arith.addi %mul3A_130, %add3A_257 : i32
        %get3A_259 = arith.index_cast %add3A_258 : i32 to index
        %get3A_260 = arith.constant 0 : index
        %get3A_261 = tpu.vector_load %arg6[%get3A_259, %get3A_260] {strides = array<i32>} : memref<200x64xf32, #tpu.memory_space<vmem>>, vector<1x16xf32>,
        %get3A_262 = vector.shape_cast %get3A_261 : vector<1x16xf32> to vector<16xf32>
        %mul3A_263 = arith.constant 8.000000e+00 : f32
        %mul3A_264 = vector.broadcast %mul3A_263 : f32 to vector<16xf32>
        %mul3A_265 = arith.mulf %get3A_262, %mul3A_264 : vector<16xf32>
        %add3A_266 = arith.constant 2 : i32
        %add3A_267 = arith.addi %mul3A_130, %add3A_266 : i32
        %swap3A_268 = arith.index_cast %add3A_267 : i32 to index
        %swap3A_269 = arith.constant 0 : index
        %swap3A_270 = tpu.vector_load %arg6[%swap3A_268, %swap3A_269] {strides = array<i32>} : memref<200x64xf32, #tpu.memory_space<vmem>>, vector<1x16xf32>,
        %swap3A_271 = vector.shape_cast %swap3A_270 : vector<1x16xf32> to vector<16xf32>
        %swap3A_272 = vector.shape_cast %mul3A_265 : vector<16xf32> to vector<1x16xf32>
        tpu.vector_store %arg6[%swap3A_268, %swap3A_269], %swap3A_272 {strides = array<i32>} : memref<200x64xf32, #tpu.memory_space<vmem>>, vector<1x16xf32>,
        %add3A_273 = arith.constant 2 : i32
        %add3A_274 = arith.addi %mul3A_130, %add3A_273 : i32
        %get3A_275 = arith.index_cast %add3A_274 : i32 to index
        %get3A_276 = arith.constant 16 : index
        %get3A_277 = tpu.vector_load %arg6[%get3A_275, %get3A_276] {strides = array<i32>} : memref<200x64xf32, #tpu.memory_space<vmem>>, vector<1x16xf32>,
        %get3A_278 = vector.shape_cast %get3A_277 : vector<1x16xf32> to vector<16xf32>
        %mul3A_279 = arith.constant 8.000000e+00 : f32
        %mul3A_280 = vector.broadcast %mul3A_279 : f32 to vector<16xf32>
        %mul3A_281 = arith.mulf %get3A_278, %mul3A_280 : vector<16xf32>
        %add3A_282 = arith.constant 2 : i32
        %add3A_283 = arith.addi %mul3A_130, %add3A_282 : i32
        %swap3A_284 = arith.index_cast %add3A_283 : i32 to index
        %swap3A_285 = arith.constant 16 : index
        %swap3A_286 = tpu.vector_load %arg6[%swap3A_284, %swap3A_285] {strides = array<i32>} : memref<200x64xf32, #tpu.memory_space<vmem>>, vector<1x16xf32>,
        %swap3A_287 = vector.shape_cast %swap3A_286 : vector<1x16xf32> to vector<16xf32>
        %swap3A_288 = vector.shape_cast %mul3A_281 : vector<16xf32> to vector<1x16xf32>
        tpu.vector_store %arg6[%swap3A_284, %swap3A_285], %swap3A_288 {strides = array<i32>} : memref<200x64xf32, #tpu.memory_space<vmem>>, vector<1x16xf32>,
        %add3A_289 = arith.constant 2 : i32
        %add3A_290 = arith.addi %mul3A_130, %add3A_289 : i32
        %get3A_291 = arith.index_cast %add3A_290 : i32 to index
        %get3A_292 = arith.constant 32 : index
        %get3A_293 = tpu.vector_load %arg6[%get3A_291, %get3A_292] {strides = array<i32>} : memref<200x64xf32, #tpu.memory_space<vmem>>, vector<1x16xf32>,
        %get3A_294 = vector.shape_cast %get3A_293 : vector<1x16xf32> to vector<16xf32>
        %mul3A_295 = arith.constant 8.000000e+00 : f32
        %mul3A_296 = vector.broadcast %mul3A_295 : f32 to vector<16xf32>
        %mul3A_297 = arith.mulf %get3A_294, %mul3A_296 : vector<16xf32>
        %add3A_298 = arith.constant 2 : i32
        %add3A_299 = arith.addi %mul3A_130, %add3A_298 : i32
        %swap3A_300 = arith.index_cast %add3A_299 : i32 to index
        %swap3A_301 = arith.constant 32 : index
        %swap3A_302 = tpu.vector_load %arg6[%swap3A_300, %swap3A_301] {strides = array<i32>} : memref<200x64xf32, #tpu.memory_space<vmem>>, vector<1x16xf32>,
        %swap3A_303 = vector.shape_cast %swap3A_302 : vector<1x16xf32> to vector<16xf32>
        %swap3A_304 = vector.shape_cast %mul3A_297 : vector<16xf32> to vector<1x16xf32>
        tpu.vector_store %arg6[%swap3A_300, %swap3A_301], %swap3A_304 {strides = array<i32>} : memref<200x64xf32, #tpu.memory_space<vmem>>, vector<1x16xf32>,
        %add3A_305 = arith.constant 2 : i32
        %add3A_306 = arith.addi %mul3A_130, %add3A_305 : i32
        %get3A_307 = arith.index_cast %add3A_306 : i32 to index
        %get3A_308 = arith.constant 48 : index
        %get3A_309 = tpu.vector_load %arg6[%get3A_307, %get3A_308] {strides = array<i32>} : memref<200x64xf32, #tpu.memory_space<vmem>>, vector<1x16xf32>,
        %get3A_310 = vector.shape_cast %get3A_309 : vector<1x16xf32> to vector<16xf32>
        %mul3A_311 = arith.constant 8.000000e+00 : f32
        %mul3A_312 = vector.broadcast %mul3A_311 : f32 to vector<16xf32>
        %mul3A_313 = arith.mulf %get3A_310, %mul3A_312 : vector<16xf32>
        %add3A_314 = arith.constant 2 : i32
        %add3A_315 = arith.addi %mul3A_130, %add3A_314 : i32
        %swap3A_316 = arith.index_cast %add3A_315 : i32 to index
        %swap3A_317 = arith.constant 48 : index
        %swap3A_318 = tpu.vector_load %arg6[%swap3A_316, %swap3A_317] {strides = array<i32>} : memref<200x64xf32, #tpu.memory_space<vmem>>, vector<1x16xf32>,
        %swap3A_319 = vector.shape_cast %swap3A_318 : vector<1x16xf32> to vector<16xf32>
        %swap3A_320 = vector.shape_cast %mul3A_313 : vector<16xf32> to vector<1x16xf32>
        tpu.vector_store %arg6[%swap3A_316, %swap3A_317], %swap3A_320 {strides = array<i32>} : memref<200x64xf32, #tpu.memory_space<vmem>>, vector<1x16xf32>,
        %add3A_321 = arith.constant 3 : i32
        %add3A_322 = arith.addi %mul3A_130, %add3A_321 : i32
        %get3A_323 = arith.index_cast %add3A_322 : i32 to index
        %get3A_324 = arith.constant 0 : index
        %get3A_325 = tpu.vector_load %arg6[%get3A_323, %get3A_324] {strides = array<i32>} : memref<200x64xf32, #tpu.memory_space<vmem>>, vector<1x16xf32>,
        %get3A_326 = vector.shape_cast %get3A_325 : vector<1x16xf32> to vector<16xf32>
        %mul3A_327 = arith.constant 8.000000e+00 : f32
        %mul3A_328 = vector.broadcast %mul3A_327 : f32 to vector<16xf32>
        %mul3A_329 = arith.mulf %get3A_326, %mul3A_328 : vector<16xf32>
        %add3A_330 = arith.constant 3 : i32
        %add3A_331 = arith.addi %mul3A_130, %add3A_330 : i32
        %swap3A_332 = arith.index_cast %add3A_331 : i32 to index
        %swap3A_333 = arith.constant 0 : index
        %swap3A_334 = tpu.vector_load %arg6[%swap3A_332, %swap3A_333] {strides = array<i32>} : memref<200x64xf32, #tpu.memory_space<vmem>>, vector<1x16xf32>,
        %swap3A_335 = vector.shape_cast %swap3A_334 : vector<1x16xf32> to vector<16xf32>
        %swap3A_336 = vector.shape_cast %mul3A_329 : vector<16xf32> to vector<1x16xf32>
        tpu.vector_store %arg6[%swap3A_332, %swap3A_333], %swap3A_336 {strides = array<i32>} : memref<200x64xf32, #tpu.memory_space<vmem>>, vector<1x16xf32>,
        %add3A_337 = arith.constant 3 : i32
        %add3A_338 = arith.addi %mul3A_130, %add3A_337 : i32
        %get3A_339 = arith.index_cast %add3A_338 : i32 to index
        %get3A_340 = arith.constant 16 : index
        %get3A_341 = tpu.vector_load %arg6[%get3A_339, %get3A_340] {strides = array<i32>} : memref<200x64xf32, #tpu.memory_space<vmem>>, vector<1x16xf32>,
        %get3A_342 = vector.shape_cast %get3A_341 : vector<1x16xf32> to vector<16xf32>
        %mul3A_343 = arith.constant 8.000000e+00 : f32
        %mul3A_344 = vector.broadcast %mul3A_343 : f32 to vector<16xf32>
        %mul3A_345 = arith.mulf %get3A_342, %mul3A_344 : vector<16xf32>
        %add3A_346 = arith.constant 3 : i32
        %add3A_347 = arith.addi %mul3A_130, %add3A_346 : i32
        %swap3A_348 = arith.index_cast %add3A_347 : i32 to index
        %swap3A_349 = arith.constant 16 : index
        %swap3A_350 = tpu.vector_load %arg6[%swap3A_348, %swap3A_349] {strides = array<i32>} : memref<200x64xf32, #tpu.memory_space<vmem>>, vector<1x16xf32>,
        %swap3A_351 = vector.shape_cast %swap3A_350 : vector<1x16xf32> to vector<16xf32>
        %swap3A_352 = vector.shape_cast %mul3A_345 : vector<16xf32> to vector<1x16xf32>
        tpu.vector_store %arg6[%swap3A_348, %swap3A_349], %swap3A_352 {strides = array<i32>} : memref<200x64xf32, #tpu.memory_space<vmem>>, vector<1x16xf32>,
        %add3A_353 = arith.constant 3 : i32
        %add3A_354 = arith.addi %mul3A_130, %add3A_353 : i32
        %get3A_355 = arith.index_cast %add3A_354 : i32 to index
        %get3A_356 = arith.constant 32 : index
        %get3A_357 = tpu.vector_load %arg6[%get3A_355, %get3A_356] {strides = array<i32>} : memref<200x64xf32, #tpu.memory_space<vmem>>, vector<1x16xf32>,
        %get3A_358 = vector.shape_cast %get3A_357 : vector<1x16xf32> to vector<16xf32>
        %mul3A_359 = arith.constant 8.000000e+00 : f32
        %mul3A_360 = vector.broadcast %mul3A_359 : f32 to vector<16xf32>
        %mul3A_361 = arith.mulf %get3A_358, %mul3A_360 : vector<16xf32>
        %add3A_362 = arith.constant 3 : i32
        %add3A_363 = arith.addi %mul3A_130, %add3A_362 : i32
        %swap3A_364 = arith.index_cast %add3A_363 : i32 to index
        %swap3A_365 = arith.constant 32 : index
        %swap3A_366 = tpu.vector_load %arg6[%swap3A_364, %swap3A_365] {strides = array<i32>} : memref<200x64xf32, #tpu.memory_space<vmem>>, vector<1x16xf32>,
        %swap3A_367 = vector.shape_cast %swap3A_366 : vector<1x16xf32> to vector<16xf32>
        %swap3A_368 = vector.shape_cast %mul3A_361 : vector<16xf32> to vector<1x16xf32>
        tpu.vector_store %arg6[%swap3A_364, %swap3A_365], %swap3A_368 {strides = array<i32>} : memref<200x64xf32, #tpu.memory_space<vmem>>, vector<1x16xf32>,
        %add3A_369 = arith.constant 3 : i32
        %add3A_370 = arith.addi %mul3A_130, %add3A_369 : i32
        %get3A_371 = arith.index_cast %add3A_370 : i32 to index
        %get3A_372 = arith.constant 48 : index
        %get3A_373 = tpu.vector_load %arg6[%get3A_371, %get3A_372] {strides = array<i32>} : memref<200x64xf32, #tpu.memory_space<vmem>>, vector<1x16xf32>,
        %get3A_374 = vector.shape_cast %get3A_373 : vector<1x16xf32> to vector<16xf32>
        %mul3A_375 = arith.constant 8.000000e+00 : f32
        %mul3A_376 = vector.broadcast %mul3A_375 : f32 to vector<16xf32>
        %mul3A_377 = arith.mulf %get3A_374, %mul3A_376 : vector<16xf32>
        %add3A_378 = arith.constant 3 : i32
        %add3A_379 = arith.addi %mul3A_130, %add3A_378 : i32
        %swap3A_380 = arith.index_cast %add3A_379 : i32 to index
        %swap3A_381 = arith.constant 48 : index
        %swap3A_382 = tpu.vector_load %arg6[%swap3A_380, %swap3A_381] {strides = array<i32>} : memref<200x64xf32, #tpu.memory_space<vmem>>, vector<1x16xf32>,
        %swap3A_383 = vector.shape_cast %swap3A_382 : vector<1x16xf32> to vector<16xf32>
        %swap3A_384 = vector.shape_cast %mul3A_377 : vector<16xf32> to vector<1x16xf32>
        tpu.vector_store %arg6[%swap3A_380, %swap3A_381], %swap3A_384 {strides = array<i32>} : memref<200x64xf32, #tpu.memory_space<vmem>>, vector<1x16xf32>,
      }
      %scan3A_50 = arith.constant 50 : i32
      %add3A_51 = arith.addi %mul3A_2, %add3A_39 : i32
      "tpu.region"() ({
        %run_scoped3A = tpu.sem_alloc : memref<!tpu.dma_semaphore, #tpu.memory_space<semaphore_mem>>
        %dma_start3A_128 = arith.constant 0 : i32
        %dma_start3A_129 = arith.constant 0 : i32
        %dma_start3A_130 = tpu.memref_slice %arg4[%add3A_51, %dma_start3A_128, %dma_start3A_129] : memref<4096x200x64xf32, #tpu.memory_space<hbm>> -> memref<1x200x64xf32, #tpu.memory_space<hbm>>
        %dma_start3A_131 = tpu.memref_squeeze %dma_start3A_130 : memref<1x200x64xf32, #tpu.memory_space<hbm>> -> memref<200x64xf32, #tpu.memory_space<hbm>>
        %dma_start3A_132 = arith.constant 0 : i32
        %dma_start3A_133 = arith.constant 0 : i32
        %dma_start3A_134 = tpu.memref_slice %arg4[%add3A_51, %dma_start3A_132, %dma_start3A_133] : memref<4096x200x64xf32, #tpu.memory_space<hbm>> -> memref<1x200x64xf32, #tpu.memory_space<hbm>>
        %dma_start3A_135 = tpu.memref_squeeze %dma_start3A_134 : memref<1x200x64xf32, #tpu.memory_space<hbm>> -> memref<200x64xf32, #tpu.memory_space<hbm>>
        tpu.enqueue_dma source(%arg6 : memref<200x64xf32, #tpu.memory_space<vmem>>) target(%dma_start3A_135 : memref<200x64xf32, #tpu.memory_space<hbm>>) target_semaphore(%run_scoped3A : memref<!tpu.dma_semaphore, #tpu.memory_space<semaphore_mem>>)
        %dma_wait3A_136 = arith.constant 0 : i32
        %dma_wait3A_137 = arith.constant 0 : i32
        %dma_wait3A_138 = tpu.memref_slice %arg4[%add3A_51, %dma_wait3A_136, %dma_wait3A_137] : memref<4096x200x64xf32, #tpu.memory_space<hbm>> -> memref<1x200x64xf32, #tpu.memory_space<hbm>>
        %dma_wait3A_139 = tpu.memref_squeeze %dma_wait3A_138 : memref<1x200x64xf32, #tpu.memory_space<hbm>> -> memref<200x64xf32, #tpu.memory_space<hbm>>
        %dma_wait3A_140 = arith.constant 0 : i32
        %dma_wait3A_141 = arith.constant 0 : i32
        %dma_wait3A_142 = tpu.memref_slice %arg4[%add3A_51, %dma_wait3A_140, %dma_wait3A_141] : memref<4096x200x64xf32, #tpu.memory_space<hbm>> -> memref<1x200x64xf32, #tpu.memory_space<hbm>>
        %dma_wait3A_143 = tpu.memref_squeeze %dma_wait3A_142 : memref<1x200x64xf32, #tpu.memory_space<hbm>> -> memref<200x64xf32, #tpu.memory_space<hbm>>
        tpu.wait_dma2 semaphore(%run_scoped3A : memref<!tpu.dma_semaphore, #tpu.memory_space<semaphore_mem>>) src(%arg6 : memref<200x64xf32, #tpu.memory_space<vmem>>) dst(%dma_wait3A_143 : memref<200x64xf32, #tpu.memory_space<hbm>>)
        tpu.yield
      }) : () -> ()
      %add3A_52 = arith.constant 4 : i32
      %add3A_53 = arith.addi %add3A_39, %add3A_52 : i32
      %lt3A = arith.constant 128 : i32
      %lt3A_54 = arith.cmpi slt, %add3A_53, %lt3A : i32
      %convert_element_type3A = arith.extui %lt3A_54 : i1 to i32
      %cond3A = arith.constant 0 : i32
      %cond3A_55 = arith.cmpi ne, %convert_element_type3A, %cond3A : i32
      scf.if %cond3A_55 {
        %add3A_128 = arith.constant 4 : i32
        %add3A_129 = arith.addi %add3A_39, %add3A_128 : i32
        %dma_start3A_130 = arith.constant 0 : i32
        %dma_start3A_131 = tpu.memref_slice %arg5[%add3A_129, %dma_start3A_130] : memref<128x200xi32, #tpu.memory_space<vmem>> -> memref<1x200xi32, #tpu.memory_space<vmem>>
        %dma_start3A_132 = tpu.memref_squeeze %dma_start3A_131 : memref<1x200xi32, #tpu.memory_space<vmem>> -> memref<200xi32, #tpu.memory_space<vmem>>
        %dma_start3A_133 = arith.constant 0 : i32
        %dma_start3A_134 = arith.constant 0 : i32
        %dma_start3A_135 = tpu.memref_slice %arg3[%dma_start3A_133, %dma_start3A_134] : memref<1000000x64xf32, #tpu.memory_space<hbm>> -> memref<1000000x64xf32, #tpu.memory_space<hbm>>
        tpu.enqueue_indirect_dma source(%dma_start3A_135 : memref<1000000x64xf32, #tpu.memory_space<hbm>>) target(%arg6 : memref<200x64xf32, #tpu.memory_space<vmem>>) offsets(%dma_start3A_132 : memref<200xi32, #tpu.memory_space<vmem>>) semaphore(%arg10 : memref<!tpu.dma_semaphore, #tpu.memory_space<semaphore_mem>>)
      } else {
      }
      %mul3A_56 = arith.constant 4 : i32
      %mul3A_57 = arith.muli %scan3A_35, %mul3A_56 : i32
      %add3A_58 = arith.constant 1 : i32
      %add3A_59 = arith.addi %mul3A_57, %add3A_58 : i32
      %dma_wait3A_60 = arith.constant 0 : i32
      %dma_wait3A_61 = tpu.memref_slice %arg5[%add3A_59, %dma_wait3A_60] : memref<128x200xi32, #tpu.memory_space<vmem>> -> memref<1x200xi32, #tpu.memory_space<vmem>>
      %dma_wait3A_62 = tpu.memref_squeeze %dma_wait3A_61 : memref<1x200xi32, #tpu.memory_space<vmem>> -> memref<200xi32, #tpu.memory_space<vmem>>
      %dma_wait3A_63 = arith.constant 0 : i32
      %dma_wait3A_64 = arith.constant 0 : i32
      %dma_wait3A_65 = tpu.memref_slice %arg3[%dma_wait3A_63, %dma_wait3A_64] : memref<1000000x64xf32, #tpu.memory_space<hbm>> -> memref<1000000x64xf32, #tpu.memory_space<hbm>>
      tpu.wait_indirect_dma semaphore(%arg11 : memref<!tpu.dma_semaphore, #tpu.memory_space<semaphore_mem>>) src(%dma_wait3A_65 : memref<1000000x64xf32, #tpu.memory_space<hbm>>) dst(%arg7 : memref<200x64xf32, #tpu.memory_space<vmem>>)
      %scan3A_66 = arith.constant 0 : i32
      %scan3A_67 = arith.constant 0 : i32
      %scan3A_68 = arith.constant 50 : i32
      %scan3A_69 = arith.addi %scan3A_67, %scan3A_68 : i32
      %scan3A_70 = arith.constant 1 : i32
      scf.for %scan3A_128 = %scan3A_67 to %scan3A_69 step %scan3A_70  : i32 {
        %mul3A_129 = arith.constant 4 : i32
        %mul3A_130 = arith.muli %scan3A_128, %mul3A_129 : i32
        %add3A_131 = arith.constant 0 : i32
        %add3A_132 = arith.addi %mul3A_130, %add3A_131 : i32
        %get3A = arith.index_cast %add3A_132 : i32 to index
        %get3A_133 = arith.constant 0 : index
        %get3A_134 = tpu.vector_load %arg7[%get3A, %get3A_133] {strides = array<i32>} : memref<200x64xf32, #tpu.memory_space<vmem>>, vector<1x16xf32>,
        %get3A_135 = vector.shape_cast %get3A_134 : vector<1x16xf32> to vector<16xf32>
        %mul3A_136 = arith.constant 8.000000e+00 : f32
        %mul3A_137 = vector.broadcast %mul3A_136 : f32 to vector<16xf32>
        %mul3A_138 = arith.mulf %get3A_135, %mul3A_137 : vector<16xf32>
        %add3A_139 = arith.constant 0 : i32
        %add3A_140 = arith.addi %mul3A_130, %add3A_139 : i32
        %swap3A = arith.index_cast %add3A_140 : i32 to index
        %swap3A_141 = arith.constant 0 : index
        %swap3A_142 = tpu.vector_load %arg7[%swap3A, %swap3A_141] {strides = array<i32>} : memref<200x64xf32, #tpu.memory_space<vmem>>, vector<1x16xf32>,
        %swap3A_143 = vector.shape_cast %swap3A_142 : vector<1x16xf32> to vector<16xf32>
        %swap3A_144 = vector.shape_cast %mul3A_138 : vector<16xf32> to vector<1x16xf32>
        tpu.vector_store %arg7[%swap3A, %swap3A_141], %swap3A_144 {strides = array<i32>} : memref<200x64xf32, #tpu.memory_space<vmem>>, vector<1x16xf32>,
        %add3A_145 = arith.constant 0 : i32
        %add3A_146 = arith.addi %mul3A_130, %add3A_145 : i32
        %get3A_147 = arith.index_cast %add3A_146 : i32 to index
        %get3A_148 = arith.constant 16 : index
        %get3A_149 = tpu.vector_load %arg7[%get3A_147, %get3A_148] {strides = array<i32>} : memref<200x64xf32, #tpu.memory_space<vmem>>, vector<1x16xf32>,
        %get3A_150 = vector.shape_cast %get3A_149 : vector<1x16xf32> to vector<16xf32>
        %mul3A_151 = arith.constant 8.000000e+00 : f32
        %mul3A_152 = vector.broadcast %mul3A_151 : f32 to vector<16xf32>
        %mul3A_153 = arith.mulf %get3A_150, %mul3A_152 : vector<16xf32>
        %add3A_154 = arith.constant 0 : i32
        %add3A_155 = arith.addi %mul3A_130, %add3A_154 : i32
        %swap3A_156 = arith.index_cast %add3A_155 : i32 to index
        %swap3A_157 = arith.constant 16 : index
        %swap3A_158 = tpu.vector_load %arg7[%swap3A_156, %swap3A_157] {strides = array<i32>} : memref<200x64xf32, #tpu.memory_space<vmem>>, vector<1x16xf32>,
        %swap3A_159 = vector.shape_cast %swap3A_158 : vector<1x16xf32> to vector<16xf32>
        %swap3A_160 = vector.shape_cast %mul3A_153 : vector<16xf32> to vector<1x16xf32>
        tpu.vector_store %arg7[%swap3A_156, %swap3A_157], %swap3A_160 {strides = array<i32>} : memref<200x64xf32, #tpu.memory_space<vmem>>, vector<1x16xf32>,
        %add3A_161 = arith.constant 0 : i32
        %add3A_162 = arith.addi %mul3A_130, %add3A_161 : i32
        %get3A_163 = arith.index_cast %add3A_162 : i32 to index
        %get3A_164 = arith.constant 32 : index
        %get3A_165 = tpu.vector_load %arg7[%get3A_163, %get3A_164] {strides = array<i32>} : memref<200x64xf32, #tpu.memory_space<vmem>>, vector<1x16xf32>,
        %get3A_166 = vector.shape_cast %get3A_165 : vector<1x16xf32> to vector<16xf32>
        %mul3A_167 = arith.constant 8.000000e+00 : f32
        %mul3A_168 = vector.broadcast %mul3A_167 : f32 to vector<16xf32>
        %mul3A_169 = arith.mulf %get3A_166, %mul3A_168 : vector<16xf32>
        %add3A_170 = arith.constant 0 : i32
        %add3A_171 = arith.addi %mul3A_130, %add3A_170 : i32
        %swap3A_172 = arith.index_cast %add3A_171 : i32 to index
        %swap3A_173 = arith.constant 32 : index
        %swap3A_174 = tpu.vector_load %arg7[%swap3A_172, %swap3A_173] {strides = array<i32>} : memref<200x64xf32, #tpu.memory_space<vmem>>, vector<1x16xf32>,
        %swap3A_175 = vector.shape_cast %swap3A_174 : vector<1x16xf32> to vector<16xf32>
        %swap3A_176 = vector.shape_cast %mul3A_169 : vector<16xf32> to vector<1x16xf32>
        tpu.vector_store %arg7[%swap3A_172, %swap3A_173], %swap3A_176 {strides = array<i32>} : memref<200x64xf32, #tpu.memory_space<vmem>>, vector<1x16xf32>,
        %add3A_177 = arith.constant 0 : i32
        %add3A_178 = arith.addi %mul3A_130, %add3A_177 : i32
        %get3A_179 = arith.index_cast %add3A_178 : i32 to index
        %get3A_180 = arith.constant 48 : index
        %get3A_181 = tpu.vector_load %arg7[%get3A_179, %get3A_180] {strides = array<i32>} : memref<200x64xf32, #tpu.memory_space<vmem>>, vector<1x16xf32>,
        %get3A_182 = vector.shape_cast %get3A_181 : vector<1x16xf32> to vector<16xf32>
        %mul3A_183 = arith.constant 8.000000e+00 : f32
        %mul3A_184 = vector.broadcast %mul3A_183 : f32 to vector<16xf32>
        %mul3A_185 = arith.mulf %get3A_182, %mul3A_184 : vector<16xf32>
        %add3A_186 = arith.constant 0 : i32
        %add3A_187 = arith.addi %mul3A_130, %add3A_186 : i32
        %swap3A_188 = arith.index_cast %add3A_187 : i32 to index
        %swap3A_189 = arith.constant 48 : index
        %swap3A_190 = tpu.vector_load %arg7[%swap3A_188, %swap3A_189] {strides = array<i32>} : memref<200x64xf32, #tpu.memory_space<vmem>>, vector<1x16xf32>,
        %swap3A_191 = vector.shape_cast %swap3A_190 : vector<1x16xf32> to vector<16xf32>
        %swap3A_192 = vector.shape_cast %mul3A_185 : vector<16xf32> to vector<1x16xf32>
        tpu.vector_store %arg7[%swap3A_188, %swap3A_189], %swap3A_192 {strides = array<i32>} : memref<200x64xf32, #tpu.memory_space<vmem>>, vector<1x16xf32>,
        %add3A_193 = arith.constant 1 : i32
        %add3A_194 = arith.addi %mul3A_130, %add3A_193 : i32
        %get3A_195 = arith.index_cast %add3A_194 : i32 to index
        %get3A_196 = arith.constant 0 : index
        %get3A_197 = tpu.vector_load %arg7[%get3A_195, %get3A_196] {strides = array<i32>} : memref<200x64xf32, #tpu.memory_space<vmem>>, vector<1x16xf32>,
        %get3A_198 = vector.shape_cast %get3A_197 : vector<1x16xf32> to vector<16xf32>
        %mul3A_199 = arith.constant 8.000000e+00 : f32
        %mul3A_200 = vector.broadcast %mul3A_199 : f32 to vector<16xf32>
        %mul3A_201 = arith.mulf %get3A_198, %mul3A_200 : vector<16xf32>
        %add3A_202 = arith.constant 1 : i32
        %add3A_203 = arith.addi %mul3A_130, %add3A_202 : i32
        %swap3A_204 = arith.index_cast %add3A_203 : i32 to index
        %swap3A_205 = arith.constant 0 : index
        %swap3A_206 = tpu.vector_load %arg7[%swap3A_204, %swap3A_205] {strides = array<i32>} : memref<200x64xf32, #tpu.memory_space<vmem>>, vector<1x16xf32>,
        %swap3A_207 = vector.shape_cast %swap3A_206 : vector<1x16xf32> to vector<16xf32>
        %swap3A_208 = vector.shape_cast %mul3A_201 : vector<16xf32> to vector<1x16xf32>
        tpu.vector_store %arg7[%swap3A_204, %swap3A_205], %swap3A_208 {strides = array<i32>} : memref<200x64xf32, #tpu.memory_space<vmem>>, vector<1x16xf32>,
        %add3A_209 = arith.constant 1 : i32
        %add3A_210 = arith.addi %mul3A_130, %add3A_209 : i32
        %get3A_211 = arith.index_cast %add3A_210 : i32 to index
        %get3A_212 = arith.constant 16 : index
        %get3A_213 = tpu.vector_load %arg7[%get3A_211, %get3A_212] {strides = array<i32>} : memref<200x64xf32, #tpu.memory_space<vmem>>, vector<1x16xf32>,
        %get3A_214 = vector.shape_cast %get3A_213 : vector<1x16xf32> to vector<16xf32>
        %mul3A_215 = arith.constant 8.000000e+00 : f32
        %mul3A_216 = vector.broadcast %mul3A_215 : f32 to vector<16xf32>
        %mul3A_217 = arith.mulf %get3A_214, %mul3A_216 : vector<16xf32>
        %add3A_218 = arith.constant 1 : i32
        %add3A_219 = arith.addi %mul3A_130, %add3A_218 : i32
        %swap3A_220 = arith.index_cast %add3A_219 : i32 to index
        %swap3A_221 = arith.constant 16 : index
        %swap3A_222 = tpu.vector_load %arg7[%swap3A_220, %swap3A_221] {strides = array<i32>} : memref<200x64xf32, #tpu.memory_space<vmem>>, vector<1x16xf32>,
        %swap3A_223 = vector.shape_cast %swap3A_222 : vector<1x16xf32> to vector<16xf32>
        %swap3A_224 = vector.shape_cast %mul3A_217 : vector<16xf32> to vector<1x16xf32>
        tpu.vector_store %arg7[%swap3A_220, %swap3A_221], %swap3A_224 {strides = array<i32>} : memref<200x64xf32, #tpu.memory_space<vmem>>, vector<1x16xf32>,
        %add3A_225 = arith.constant 1 : i32
        %add3A_226 = arith.addi %mul3A_130, %add3A_225 : i32
        %get3A_227 = arith.index_cast %add3A_226 : i32 to index
        %get3A_228 = arith.constant 32 : index
        %get3A_229 = tpu.vector_load %arg7[%get3A_227, %get3A_228] {strides = array<i32>} : memref<200x64xf32, #tpu.memory_space<vmem>>, vector<1x16xf32>,
        %get3A_230 = vector.shape_cast %get3A_229 : vector<1x16xf32> to vector<16xf32>
        %mul3A_231 = arith.constant 8.000000e+00 : f32
        %mul3A_232 = vector.broadcast %mul3A_231 : f32 to vector<16xf32>
        %mul3A_233 = arith.mulf %get3A_230, %mul3A_232 : vector<16xf32>
        %add3A_234 = arith.constant 1 : i32
        %add3A_235 = arith.addi %mul3A_130, %add3A_234 : i32
        %swap3A_236 = arith.index_cast %add3A_235 : i32 to index
        %swap3A_237 = arith.constant 32 : index
        %swap3A_238 = tpu.vector_load %arg7[%swap3A_236, %swap3A_237] {strides = array<i32>} : memref<200x64xf32, #tpu.memory_space<vmem>>, vector<1x16xf32>,
        %swap3A_239 = vector.shape_cast %swap3A_238 : vector<1x16xf32> to vector<16xf32>
        %swap3A_240 = vector.shape_cast %mul3A_233 : vector<16xf32> to vector<1x16xf32>
        tpu.vector_store %arg7[%swap3A_236, %swap3A_237], %swap3A_240 {strides = array<i32>} : memref<200x64xf32, #tpu.memory_space<vmem>>, vector<1x16xf32>,
        %add3A_241 = arith.constant 1 : i32
        %add3A_242 = arith.addi %mul3A_130, %add3A_241 : i32
        %get3A_243 = arith.index_cast %add3A_242 : i32 to index
        %get3A_244 = arith.constant 48 : index
        %get3A_245 = tpu.vector_load %arg7[%get3A_243, %get3A_244] {strides = array<i32>} : memref<200x64xf32, #tpu.memory_space<vmem>>, vector<1x16xf32>,
        %get3A_246 = vector.shape_cast %get3A_245 : vector<1x16xf32> to vector<16xf32>
        %mul3A_247 = arith.constant 8.000000e+00 : f32
        %mul3A_248 = vector.broadcast %mul3A_247 : f32 to vector<16xf32>
        %mul3A_249 = arith.mulf %get3A_246, %mul3A_248 : vector<16xf32>
        %add3A_250 = arith.constant 1 : i32
        %add3A_251 = arith.addi %mul3A_130, %add3A_250 : i32
        %swap3A_252 = arith.index_cast %add3A_251 : i32 to index
        %swap3A_253 = arith.constant 48 : index
        %swap3A_254 = tpu.vector_load %arg7[%swap3A_252, %swap3A_253] {strides = array<i32>} : memref<200x64xf32, #tpu.memory_space<vmem>>, vector<1x16xf32>,
        %swap3A_255 = vector.shape_cast %swap3A_254 : vector<1x16xf32> to vector<16xf32>
        %swap3A_256 = vector.shape_cast %mul3A_249 : vector<16xf32> to vector<1x16xf32>
        tpu.vector_store %arg7[%swap3A_252, %swap3A_253], %swap3A_256 {strides = array<i32>} : memref<200x64xf32, #tpu.memory_space<vmem>>, vector<1x16xf32>,
        %add3A_257 = arith.constant 2 : i32
        %add3A_258 = arith.addi %mul3A_130, %add3A_257 : i32
        %get3A_259 = arith.index_cast %add3A_258 : i32 to index
        %get3A_260 = arith.constant 0 : index
        %get3A_261 = tpu.vector_load %arg7[%get3A_259, %get3A_260] {strides = array<i32>} : memref<200x64xf32, #tpu.memory_space<vmem>>, vector<1x16xf32>,
        %get3A_262 = vector.shape_cast %get3A_261 : vector<1x16xf32> to vector<16xf32>
        %mul3A_263 = arith.constant 8.000000e+00 : f32
        %mul3A_264 = vector.broadcast %mul3A_263 : f32 to vector<16xf32>
        %mul3A_265 = arith.mulf %get3A_262, %mul3A_264 : vector<16xf32>
        %add3A_266 = arith.constant 2 : i32
        %add3A_267 = arith.addi %mul3A_130, %add3A_266 : i32
        %swap3A_268 = arith.index_cast %add3A_267 : i32 to index
        %swap3A_269 = arith.constant 0 : index
        %swap3A_270 = tpu.vector_load %arg7[%swap3A_268, %swap3A_269] {strides = array<i32>} : memref<200x64xf32, #tpu.memory_space<vmem>>, vector<1x16xf32>,
        %swap3A_271 = vector.shape_cast %swap3A_270 : vector<1x16xf32> to vector<16xf32>
        %swap3A_272 = vector.shape_cast %mul3A_265 : vector<16xf32> to vector<1x16xf32>
        tpu.vector_store %arg7[%swap3A_268, %swap3A_269], %swap3A_272 {strides = array<i32>} : memref<200x64xf32, #tpu.memory_space<vmem>>, vector<1x16xf32>,
        %add3A_273 = arith.constant 2 : i32
        %add3A_274 = arith.addi %mul3A_130, %add3A_273 : i32
        %get3A_275 = arith.index_cast %add3A_274 : i32 to index
        %get3A_276 = arith.constant 16 : index
        %get3A_277 = tpu.vector_load %arg7[%get3A_275, %get3A_276] {strides = array<i32>} : memref<200x64xf32, #tpu.memory_space<vmem>>, vector<1x16xf32>,
        %get3A_278 = vector.shape_cast %get3A_277 : vector<1x16xf32> to vector<16xf32>
        %mul3A_279 = arith.constant 8.000000e+00 : f32
        %mul3A_280 = vector.broadcast %mul3A_279 : f32 to vector<16xf32>
        %mul3A_281 = arith.mulf %get3A_278, %mul3A_280 : vector<16xf32>
        %add3A_282 = arith.constant 2 : i32
        %add3A_283 = arith.addi %mul3A_130, %add3A_282 : i32
        %swap3A_284 = arith.index_cast %add3A_283 : i32 to index
        %swap3A_285 = arith.constant 16 : index
        %swap3A_286 = tpu.vector_load %arg7[%swap3A_284, %swap3A_285] {strides = array<i32>} : memref<200x64xf32, #tpu.memory_space<vmem>>, vector<1x16xf32>,
        %swap3A_287 = vector.shape_cast %swap3A_286 : vector<1x16xf32> to vector<16xf32>
        %swap3A_288 = vector.shape_cast %mul3A_281 : vector<16xf32> to vector<1x16xf32>
        tpu.vector_store %arg7[%swap3A_284, %swap3A_285], %swap3A_288 {strides = array<i32>} : memref<200x64xf32, #tpu.memory_space<vmem>>, vector<1x16xf32>,
        %add3A_289 = arith.constant 2 : i32
        %add3A_290 = arith.addi %mul3A_130, %add3A_289 : i32
        %get3A_291 = arith.index_cast %add3A_290 : i32 to index
        %get3A_292 = arith.constant 32 : index
        %get3A_293 = tpu.vector_load %arg7[%get3A_291, %get3A_292] {strides = array<i32>} : memref<200x64xf32, #tpu.memory_space<vmem>>, vector<1x16xf32>,
        %get3A_294 = vector.shape_cast %get3A_293 : vector<1x16xf32> to vector<16xf32>
        %mul3A_295 = arith.constant 8.000000e+00 : f32
        %mul3A_296 = vector.broadcast %mul3A_295 : f32 to vector<16xf32>
        %mul3A_297 = arith.mulf %get3A_294, %mul3A_296 : vector<16xf32>
        %add3A_298 = arith.constant 2 : i32
        %add3A_299 = arith.addi %mul3A_130, %add3A_298 : i32
        %swap3A_300 = arith.index_cast %add3A_299 : i32 to index
        %swap3A_301 = arith.constant 32 : index
        %swap3A_302 = tpu.vector_load %arg7[%swap3A_300, %swap3A_301] {strides = array<i32>} : memref<200x64xf32, #tpu.memory_space<vmem>>, vector<1x16xf32>,
        %swap3A_303 = vector.shape_cast %swap3A_302 : vector<1x16xf32> to vector<16xf32>
        %swap3A_304 = vector.shape_cast %mul3A_297 : vector<16xf32> to vector<1x16xf32>
        tpu.vector_store %arg7[%swap3A_300, %swap3A_301], %swap3A_304 {strides = array<i32>} : memref<200x64xf32, #tpu.memory_space<vmem>>, vector<1x16xf32>,
        %add3A_305 = arith.constant 2 : i32
        %add3A_306 = arith.addi %mul3A_130, %add3A_305 : i32
        %get3A_307 = arith.index_cast %add3A_306 : i32 to index
        %get3A_308 = arith.constant 48 : index
        %get3A_309 = tpu.vector_load %arg7[%get3A_307, %get3A_308] {strides = array<i32>} : memref<200x64xf32, #tpu.memory_space<vmem>>, vector<1x16xf32>,
        %get3A_310 = vector.shape_cast %get3A_309 : vector<1x16xf32> to vector<16xf32>
        %mul3A_311 = arith.constant 8.000000e+00 : f32
        %mul3A_312 = vector.broadcast %mul3A_311 : f32 to vector<16xf32>
        %mul3A_313 = arith.mulf %get3A_310, %mul3A_312 : vector<16xf32>
        %add3A_314 = arith.constant 2 : i32
        %add3A_315 = arith.addi %mul3A_130, %add3A_314 : i32
        %swap3A_316 = arith.index_cast %add3A_315 : i32 to index
        %swap3A_317 = arith.constant 48 : index
        %swap3A_318 = tpu.vector_load %arg7[%swap3A_316, %swap3A_317] {strides = array<i32>} : memref<200x64xf32, #tpu.memory_space<vmem>>, vector<1x16xf32>,
        %swap3A_319 = vector.shape_cast %swap3A_318 : vector<1x16xf32> to vector<16xf32>
        %swap3A_320 = vector.shape_cast %mul3A_313 : vector<16xf32> to vector<1x16xf32>
        tpu.vector_store %arg7[%swap3A_316, %swap3A_317], %swap3A_320 {strides = array<i32>} : memref<200x64xf32, #tpu.memory_space<vmem>>, vector<1x16xf32>,
        %add3A_321 = arith.constant 3 : i32
        %add3A_322 = arith.addi %mul3A_130, %add3A_321 : i32
        %get3A_323 = arith.index_cast %add3A_322 : i32 to index
        %get3A_324 = arith.constant 0 : index
        %get3A_325 = tpu.vector_load %arg7[%get3A_323, %get3A_324] {strides = array<i32>} : memref<200x64xf32, #tpu.memory_space<vmem>>, vector<1x16xf32>,
        %get3A_326 = vector.shape_cast %get3A_325 : vector<1x16xf32> to vector<16xf32>
        %mul3A_327 = arith.constant 8.000000e+00 : f32
        %mul3A_328 = vector.broadcast %mul3A_327 : f32 to vector<16xf32>
        %mul3A_329 = arith.mulf %get3A_326, %mul3A_328 : vector<16xf32>
        %add3A_330 = arith.constant 3 : i32
        %add3A_331 = arith.addi %mul3A_130, %add3A_330 : i32
        %swap3A_332 = arith.index_cast %add3A_331 : i32 to index
        %swap3A_333 = arith.constant 0 : index
        %swap3A_334 = tpu.vector_load %arg7[%swap3A_332, %swap3A_333] {strides = array<i32>} : memref<200x64xf32, #tpu.memory_space<vmem>>, vector<1x16xf32>,
        %swap3A_335 = vector.shape_cast %swap3A_334 : vector<1x16xf32> to vector<16xf32>
        %swap3A_336 = vector.shape_cast %mul3A_329 : vector<16xf32> to vector<1x16xf32>
        tpu.vector_store %arg7[%swap3A_332, %swap3A_333], %swap3A_336 {strides = array<i32>} : memref<200x64xf32, #tpu.memory_space<vmem>>, vector<1x16xf32>,
        %add3A_337 = arith.constant 3 : i32
        %add3A_338 = arith.addi %mul3A_130, %add3A_337 : i32
        %get3A_339 = arith.index_cast %add3A_338 : i32 to index
        %get3A_340 = arith.constant 16 : index
        %get3A_341 = tpu.vector_load %arg7[%get3A_339, %get3A_340] {strides = array<i32>} : memref<200x64xf32, #tpu.memory_space<vmem>>, vector<1x16xf32>,
        %get3A_342 = vector.shape_cast %get3A_341 : vector<1x16xf32> to vector<16xf32>
        %mul3A_343 = arith.constant 8.000000e+00 : f32
        %mul3A_344 = vector.broadcast %mul3A_343 : f32 to vector<16xf32>
        %mul3A_345 = arith.mulf %get3A_342, %mul3A_344 : vector<16xf32>
        %add3A_346 = arith.constant 3 : i32
        %add3A_347 = arith.addi %mul3A_130, %add3A_346 : i32
        %swap3A_348 = arith.index_cast %add3A_347 : i32 to index
        %swap3A_349 = arith.constant 16 : index
        %swap3A_350 = tpu.vector_load %arg7[%swap3A_348, %swap3A_349] {strides = array<i32>} : memref<200x64xf32, #tpu.memory_space<vmem>>, vector<1x16xf32>,
        %swap3A_351 = vector.shape_cast %swap3A_350 : vector<1x16xf32> to vector<16xf32>
        %swap3A_352 = vector.shape_cast %mul3A_345 : vector<16xf32> to vector<1x16xf32>
        tpu.vector_store %arg7[%swap3A_348, %swap3A_349], %swap3A_352 {strides = array<i32>} : memref<200x64xf32, #tpu.memory_space<vmem>>, vector<1x16xf32>,
        %add3A_353 = arith.constant 3 : i32
        %add3A_354 = arith.addi %mul3A_130, %add3A_353 : i32
        %get3A_355 = arith.index_cast %add3A_354 : i32 to index
        %get3A_356 = arith.constant 32 : index
        %get3A_357 = tpu.vector_load %arg7[%get3A_355, %get3A_356] {strides = array<i32>} : memref<200x64xf32, #tpu.memory_space<vmem>>, vector<1x16xf32>,
        %get3A_358 = vector.shape_cast %get3A_357 : vector<1x16xf32> to vector<16xf32>
        %mul3A_359 = arith.constant 8.000000e+00 : f32
        %mul3A_360 = vector.broadcast %mul3A_359 : f32 to vector<16xf32>
        %mul3A_361 = arith.mulf %get3A_358, %mul3A_360 : vector<16xf32>
        %add3A_362 = arith.constant 3 : i32
        %add3A_363 = arith.addi %mul3A_130, %add3A_362 : i32
        %swap3A_364 = arith.index_cast %add3A_363 : i32 to index
        %swap3A_365 = arith.constant 32 : index
        %swap3A_366 = tpu.vector_load %arg7[%swap3A_364, %swap3A_365] {strides = array<i32>} : memref<200x64xf32, #tpu.memory_space<vmem>>, vector<1x16xf32>,
        %swap3A_367 = vector.shape_cast %swap3A_366 : vector<1x16xf32> to vector<16xf32>
        %swap3A_368 = vector.shape_cast %mul3A_361 : vector<16xf32> to vector<1x16xf32>
        tpu.vector_store %arg7[%swap3A_364, %swap3A_365], %swap3A_368 {strides = array<i32>} : memref<200x64xf32, #tpu.memory_space<vmem>>, vector<1x16xf32>,
        %add3A_369 = arith.constant 3 : i32
        %add3A_370 = arith.addi %mul3A_130, %add3A_369 : i32
        %get3A_371 = arith.index_cast %add3A_370 : i32 to index
        %get3A_372 = arith.constant 48 : index
        %get3A_373 = tpu.vector_load %arg7[%get3A_371, %get3A_372] {strides = array<i32>} : memref<200x64xf32, #tpu.memory_space<vmem>>, vector<1x16xf32>,
        %get3A_374 = vector.shape_cast %get3A_373 : vector<1x16xf32> to vector<16xf32>
        %mul3A_375 = arith.constant 8.000000e+00 : f32
        %mul3A_376 = vector.broadcast %mul3A_375 : f32 to vector<16xf32>
        %mul3A_377 = arith.mulf %get3A_374, %mul3A_376 : vector<16xf32>
        %add3A_378 = arith.constant 3 : i32
        %add3A_379 = arith.addi %mul3A_130, %add3A_378 : i32
        %swap3A_380 = arith.index_cast %add3A_379 : i32 to index
        %swap3A_381 = arith.constant 48 : index
        %swap3A_382 = tpu.vector_load %arg7[%swap3A_380, %swap3A_381] {strides = array<i32>} : memref<200x64xf32, #tpu.memory_space<vmem>>, vector<1x16xf32>,
        %swap3A_383 = vector.shape_cast %swap3A_382 : vector<1x16xf32> to vector<16xf32>
        %swap3A_384 = vector.shape_cast %mul3A_377 : vector<16xf32> to vector<1x16xf32>
        tpu.vector_store %arg7[%swap3A_380, %swap3A_381], %swap3A_384 {strides = array<i32>} : memref<200x64xf32, #tpu.memory_space<vmem>>, vector<1x16xf32>,
      }
      %scan3A_71 = arith.constant 50 : i32
      %add3A_72 = arith.addi %mul3A_2, %add3A_59 : i32
      "tpu.region"() ({
        %run_scoped3A = tpu.sem_alloc : memref<!tpu.dma_semaphore, #tpu.memory_space<semaphore_mem>>
        %dma_start3A_128 = arith.constant 0 : i32
        %dma_start3A_129 = arith.constant 0 : i32
        %dma_start3A_130 = tpu.memref_slice %arg4[%add3A_72, %dma_start3A_128, %dma_start3A_129] : memref<4096x200x64xf32, #tpu.memory_space<hbm>> -> memref<1x200x64xf32, #tpu.memory_space<hbm>>
        %dma_start3A_131 = tpu.memref_squeeze %dma_start3A_130 : memref<1x200x64xf32, #tpu.memory_space<hbm>> -> memref<200x64xf32, #tpu.memory_space<hbm>>
        %dma_start3A_132 = arith.constant 0 : i32
        %dma_start3A_133 = arith.constant 0 : i32
        %dma_start3A_134 = tpu.memref_slice %arg4[%add3A_72, %dma_start3A_132, %dma_start3A_133] : memref<4096x200x64xf32, #tpu.memory_space<hbm>> -> memref<1x200x64xf32, #tpu.memory_space<hbm>>
        %dma_start3A_135 = tpu.memref_squeeze %dma_start3A_134 : memref<1x200x64xf32, #tpu.memory_space<hbm>> -> memref<200x64xf32, #tpu.memory_space<hbm>>
        tpu.enqueue_dma source(%arg7 : memref<200x64xf32, #tpu.memory_space<vmem>>) target(%dma_start3A_135 : memref<200x64xf32, #tpu.memory_space<hbm>>) target_semaphore(%run_scoped3A : memref<!tpu.dma_semaphore, #tpu.memory_space<semaphore_mem>>)
        %dma_wait3A_136 = arith.constant 0 : i32
        %dma_wait3A_137 = arith.constant 0 : i32
        %dma_wait3A_138 = tpu.memref_slice %arg4[%add3A_72, %dma_wait3A_136, %dma_wait3A_137] : memref<4096x200x64xf32, #tpu.memory_space<hbm>> -> memref<1x200x64xf32, #tpu.memory_space<hbm>>
        %dma_wait3A_139 = tpu.memref_squeeze %dma_wait3A_138 : memref<1x200x64xf32, #tpu.memory_space<hbm>> -> memref<200x64xf32, #tpu.memory_space<hbm>>
        %dma_wait3A_140 = arith.constant 0 : i32
        %dma_wait3A_141 = arith.constant 0 : i32
        %dma_wait3A_142 = tpu.memref_slice %arg4[%add3A_72, %dma_wait3A_140, %dma_wait3A_141] : memref<4096x200x64xf32, #tpu.memory_space<hbm>> -> memref<1x200x64xf32, #tpu.memory_space<hbm>>
        %dma_wait3A_143 = tpu.memref_squeeze %dma_wait3A_142 : memref<1x200x64xf32, #tpu.memory_space<hbm>> -> memref<200x64xf32, #tpu.memory_space<hbm>>
        tpu.wait_dma2 semaphore(%run_scoped3A : memref<!tpu.dma_semaphore, #tpu.memory_space<semaphore_mem>>) src(%arg7 : memref<200x64xf32, #tpu.memory_space<vmem>>) dst(%dma_wait3A_143 : memref<200x64xf32, #tpu.memory_space<hbm>>)
        tpu.yield
      }) : () -> ()
      %add3A_73 = arith.constant 4 : i32
      %add3A_74 = arith.addi %add3A_59, %add3A_73 : i32
      %lt3A_75 = arith.constant 128 : i32
      %lt3A_76 = arith.cmpi slt, %add3A_74, %lt3A_75 : i32
      %convert_element_type3A_77 = arith.extui %lt3A_76 : i1 to i32
      %cond3A_78 = arith.constant 0 : i32
      %cond3A_79 = arith.cmpi ne, %convert_element_type3A_77, %cond3A_78 : i32
      scf.if %cond3A_79 {
        %add3A_128 = arith.constant 4 : i32
        %add3A_129 = arith.addi %add3A_59, %add3A_128 : i32
        %dma_start3A_130 = arith.constant 0 : i32
        %dma_start3A_131 = tpu.memref_slice %arg5[%add3A_129, %dma_start3A_130] : memref<128x200xi32, #tpu.memory_space<vmem>> -> memref<1x200xi32, #tpu.memory_space<vmem>>
        %dma_start3A_132 = tpu.memref_squeeze %dma_start3A_131 : memref<1x200xi32, #tpu.memory_space<vmem>> -> memref<200xi32, #tpu.memory_space<vmem>>
        %dma_start3A_133 = arith.constant 0 : i32
        %dma_start3A_134 = arith.constant 0 : i32
        %dma_start3A_135 = tpu.memref_slice %arg3[%dma_start3A_133, %dma_start3A_134] : memref<1000000x64xf32, #tpu.memory_space<hbm>> -> memref<1000000x64xf32, #tpu.memory_space<hbm>>
        tpu.enqueue_indirect_dma source(%dma_start3A_135 : memref<1000000x64xf32, #tpu.memory_space<hbm>>) target(%arg7 : memref<200x64xf32, #tpu.memory_space<vmem>>) offsets(%dma_start3A_132 : memref<200xi32, #tpu.memory_space<vmem>>) semaphore(%arg11 : memref<!tpu.dma_semaphore, #tpu.memory_space<semaphore_mem>>)
      } else {
      }
      %mul3A_80 = arith.constant 4 : i32
      %mul3A_81 = arith.muli %scan3A_35, %mul3A_80 : i32
      %add3A_82 = arith.constant 2 : i32
      %add3A_83 = arith.addi %mul3A_81, %add3A_82 : i32
      %dma_wait3A_84 = arith.constant 0 : i32
      %dma_wait3A_85 = tpu.memref_slice %arg5[%add3A_83, %dma_wait3A_84] : memref<128x200xi32, #tpu.memory_space<vmem>> -> memref<1x200xi32, #tpu.memory_space<vmem>>
      %dma_wait3A_86 = tpu.memref_squeeze %dma_wait3A_85 : memref<1x200xi32, #tpu.memory_space<vmem>> -> memref<200xi32, #tpu.memory_space<vmem>>
      %dma_wait3A_87 = arith.constant 0 : i32
      %dma_wait3A_88 = arith.constant 0 : i32
      %dma_wait3A_89 = tpu.memref_slice %arg3[%dma_wait3A_87, %dma_wait3A_88] : memref<1000000x64xf32, #tpu.memory_space<hbm>> -> memref<1000000x64xf32, #tpu.memory_space<hbm>>
      tpu.wait_indirect_dma semaphore(%arg12 : memref<!tpu.dma_semaphore, #tpu.memory_space<semaphore_mem>>) src(%dma_wait3A_89 : memref<1000000x64xf32, #tpu.memory_space<hbm>>) dst(%arg8 : memref<200x64xf32, #tpu.memory_space<vmem>>)
      %scan3A_90 = arith.constant 0 : i32
      %scan3A_91 = arith.constant 0 : i32
      %scan3A_92 = arith.constant 50 : i32
      %scan3A_93 = arith.addi %scan3A_91, %scan3A_92 : i32
      %scan3A_94 = arith.constant 1 : i32
      scf.for %scan3A_128 = %scan3A_91 to %scan3A_93 step %scan3A_94  : i32 {
        %mul3A_129 = arith.constant 4 : i32
        %mul3A_130 = arith.muli %scan3A_128, %mul3A_129 : i32
        %add3A_131 = arith.constant 0 : i32
        %add3A_132 = arith.addi %mul3A_130, %add3A_131 : i32
        %get3A = arith.index_cast %add3A_132 : i32 to index
        %get3A_133 = arith.constant 0 : index
        %get3A_134 = tpu.vector_load %arg8[%get3A, %get3A_133] {strides = array<i32>} : memref<200x64xf32, #tpu.memory_space<vmem>>, vector<1x16xf32>,
        %get3A_135 = vector.shape_cast %get3A_134 : vector<1x16xf32> to vector<16xf32>
        %mul3A_136 = arith.constant 8.000000e+00 : f32
        %mul3A_137 = vector.broadcast %mul3A_136 : f32 to vector<16xf32>
        %mul3A_138 = arith.mulf %get3A_135, %mul3A_137 : vector<16xf32>
        %add3A_139 = arith.constant 0 : i32
        %add3A_140 = arith.addi %mul3A_130, %add3A_139 : i32
        %swap3A = arith.index_cast %add3A_140 : i32 to index
        %swap3A_141 = arith.constant 0 : index
        %swap3A_142 = tpu.vector_load %arg8[%swap3A, %swap3A_141] {strides = array<i32>} : memref<200x64xf32, #tpu.memory_space<vmem>>, vector<1x16xf32>,
        %swap3A_143 = vector.shape_cast %swap3A_142 : vector<1x16xf32> to vector<16xf32>
        %swap3A_144 = vector.shape_cast %mul3A_138 : vector<16xf32> to vector<1x16xf32>
        tpu.vector_store %arg8[%swap3A, %swap3A_141], %swap3A_144 {strides = array<i32>} : memref<200x64xf32, #tpu.memory_space<vmem>>, vector<1x16xf32>,
        %add3A_145 = arith.constant 0 : i32
        %add3A_146 = arith.addi %mul3A_130, %add3A_145 : i32
        %get3A_147 = arith.index_cast %add3A_146 : i32 to index
        %get3A_148 = arith.constant 16 : index
        %get3A_149 = tpu.vector_load %arg8[%get3A_147, %get3A_148] {strides = array<i32>} : memref<200x64xf32, #tpu.memory_space<vmem>>, vector<1x16xf32>,
        %get3A_150 = vector.shape_cast %get3A_149 : vector<1x16xf32> to vector<16xf32>
        %mul3A_151 = arith.constant 8.000000e+00 : f32
        %mul3A_152 = vector.broadcast %mul3A_151 : f32 to vector<16xf32>
        %mul3A_153 = arith.mulf %get3A_150, %mul3A_152 : vector<16xf32>
        %add3A_154 = arith.constant 0 : i32
        %add3A_155 = arith.addi %mul3A_130, %add3A_154 : i32
        %swap3A_156 = arith.index_cast %add3A_155 : i32 to index
        %swap3A_157 = arith.constant 16 : index
        %swap3A_158 = tpu.vector_load %arg8[%swap3A_156, %swap3A_157] {strides = array<i32>} : memref<200x64xf32, #tpu.memory_space<vmem>>, vector<1x16xf32>,
        %swap3A_159 = vector.shape_cast %swap3A_158 : vector<1x16xf32> to vector<16xf32>
        %swap3A_160 = vector.shape_cast %mul3A_153 : vector<16xf32> to vector<1x16xf32>
        tpu.vector_store %arg8[%swap3A_156, %swap3A_157], %swap3A_160 {strides = array<i32>} : memref<200x64xf32, #tpu.memory_space<vmem>>, vector<1x16xf32>,
        %add3A_161 = arith.constant 0 : i32
        %add3A_162 = arith.addi %mul3A_130, %add3A_161 : i32
        %get3A_163 = arith.index_cast %add3A_162 : i32 to index
        %get3A_164 = arith.constant 32 : index
        %get3A_165 = tpu.vector_load %arg8[%get3A_163, %get3A_164] {strides = array<i32>} : memref<200x64xf32, #tpu.memory_space<vmem>>, vector<1x16xf32>,
        %get3A_166 = vector.shape_cast %get3A_165 : vector<1x16xf32> to vector<16xf32>
        %mul3A_167 = arith.constant 8.000000e+00 : f32
        %mul3A_168 = vector.broadcast %mul3A_167 : f32 to vector<16xf32>
        %mul3A_169 = arith.mulf %get3A_166, %mul3A_168 : vector<16xf32>
        %add3A_170 = arith.constant 0 : i32
        %add3A_171 = arith.addi %mul3A_130, %add3A_170 : i32
        %swap3A_172 = arith.index_cast %add3A_171 : i32 to index
        %swap3A_173 = arith.constant 32 : index
        %swap3A_174 = tpu.vector_load %arg8[%swap3A_172, %swap3A_173] {strides = array<i32>} : memref<200x64xf32, #tpu.memory_space<vmem>>, vector<1x16xf32>,
        %swap3A_175 = vector.shape_cast %swap3A_174 : vector<1x16xf32> to vector<16xf32>
        %swap3A_176 = vector.shape_cast %mul3A_169 : vector<16xf32> to vector<1x16xf32>
        tpu.vector_store %arg8[%swap3A_172, %swap3A_173], %swap3A_176 {strides = array<i32>} : memref<200x64xf32, #tpu.memory_space<vmem>>, vector<1x16xf32>,
        %add3A_177 = arith.constant 0 : i32
        %add3A_178 = arith.addi %mul3A_130, %add3A_177 : i32
        %get3A_179 = arith.index_cast %add3A_178 : i32 to index
        %get3A_180 = arith.constant 48 : index
        %get3A_181 = tpu.vector_load %arg8[%get3A_179, %get3A_180] {strides = array<i32>} : memref<200x64xf32, #tpu.memory_space<vmem>>, vector<1x16xf32>,
        %get3A_182 = vector.shape_cast %get3A_181 : vector<1x16xf32> to vector<16xf32>
        %mul3A_183 = arith.constant 8.000000e+00 : f32
        %mul3A_184 = vector.broadcast %mul3A_183 : f32 to vector<16xf32>
        %mul3A_185 = arith.mulf %get3A_182, %mul3A_184 : vector<16xf32>
        %add3A_186 = arith.constant 0 : i32
        %add3A_187 = arith.addi %mul3A_130, %add3A_186 : i32
        %swap3A_188 = arith.index_cast %add3A_187 : i32 to index
        %swap3A_189 = arith.constant 48 : index
        %swap3A_190 = tpu.vector_load %arg8[%swap3A_188, %swap3A_189] {strides = array<i32>} : memref<200x64xf32, #tpu.memory_space<vmem>>, vector<1x16xf32>,
        %swap3A_191 = vector.shape_cast %swap3A_190 : vector<1x16xf32> to vector<16xf32>
        %swap3A_192 = vector.shape_cast %mul3A_185 : vector<16xf32> to vector<1x16xf32>
        tpu.vector_store %arg8[%swap3A_188, %swap3A_189], %swap3A_192 {strides = array<i32>} : memref<200x64xf32, #tpu.memory_space<vmem>>, vector<1x16xf32>,
        %add3A_193 = arith.constant 1 : i32
        %add3A_194 = arith.addi %mul3A_130, %add3A_193 : i32
        %get3A_195 = arith.index_cast %add3A_194 : i32 to index
        %get3A_196 = arith.constant 0 : index
        %get3A_197 = tpu.vector_load %arg8[%get3A_195, %get3A_196] {strides = array<i32>} : memref<200x64xf32, #tpu.memory_space<vmem>>, vector<1x16xf32>,
        %get3A_198 = vector.shape_cast %get3A_197 : vector<1x16xf32> to vector<16xf32>
        %mul3A_199 = arith.constant 8.000000e+00 : f32
        %mul3A_200 = vector.broadcast %mul3A_199 : f32 to vector<16xf32>
        %mul3A_201 = arith.mulf %get3A_198, %mul3A_200 : vector<16xf32>
        %add3A_202 = arith.constant 1 : i32
        %add3A_203 = arith.addi %mul3A_130, %add3A_202 : i32
        %swap3A_204 = arith.index_cast %add3A_203 : i32 to index
        %swap3A_205 = arith.constant 0 : index
        %swap3A_206 = tpu.vector_load %arg8[%swap3A_204, %swap3A_205] {strides = array<i32>} : memref<200x64xf32, #tpu.memory_space<vmem>>, vector<1x16xf32>,
        %swap3A_207 = vector.shape_cast %swap3A_206 : vector<1x16xf32> to vector<16xf32>
        %swap3A_208 = vector.shape_cast %mul3A_201 : vector<16xf32> to vector<1x16xf32>
        tpu.vector_store %arg8[%swap3A_204, %swap3A_205], %swap3A_208 {strides = array<i32>} : memref<200x64xf32, #tpu.memory_space<vmem>>, vector<1x16xf32>,
        %add3A_209 = arith.constant 1 : i32
        %add3A_210 = arith.addi %mul3A_130, %add3A_209 : i32
        %get3A_211 = arith.index_cast %add3A_210 : i32 to index
        %get3A_212 = arith.constant 16 : index
        %get3A_213 = tpu.vector_load %arg8[%get3A_211, %get3A_212] {strides = array<i32>} : memref<200x64xf32, #tpu.memory_space<vmem>>, vector<1x16xf32>,
        %get3A_214 = vector.shape_cast %get3A_213 : vector<1x16xf32> to vector<16xf32>
        %mul3A_215 = arith.constant 8.000000e+00 : f32
        %mul3A_216 = vector.broadcast %mul3A_215 : f32 to vector<16xf32>
        %mul3A_217 = arith.mulf %get3A_214, %mul3A_216 : vector<16xf32>
        %add3A_218 = arith.constant 1 : i32
        %add3A_219 = arith.addi %mul3A_130, %add3A_218 : i32
        %swap3A_220 = arith.index_cast %add3A_219 : i32 to index
        %swap3A_221 = arith.constant 16 : index
        %swap3A_222 = tpu.vector_load %arg8[%swap3A_220, %swap3A_221] {strides = array<i32>} : memref<200x64xf32, #tpu.memory_space<vmem>>, vector<1x16xf32>,
        %swap3A_223 = vector.shape_cast %swap3A_222 : vector<1x16xf32> to vector<16xf32>
        %swap3A_224 = vector.shape_cast %mul3A_217 : vector<16xf32> to vector<1x16xf32>
        tpu.vector_store %arg8[%swap3A_220, %swap3A_221], %swap3A_224 {strides = array<i32>} : memref<200x64xf32, #tpu.memory_space<vmem>>, vector<1x16xf32>,
        %add3A_225 = arith.constant 1 : i32
        %add3A_226 = arith.addi %mul3A_130, %add3A_225 : i32
        %get3A_227 = arith.index_cast %add3A_226 : i32 to index
        %get3A_228 = arith.constant 32 : index
        %get3A_229 = tpu.vector_load %arg8[%get3A_227, %get3A_228] {strides = array<i32>} : memref<200x64xf32, #tpu.memory_space<vmem>>, vector<1x16xf32>,
        %get3A_230 = vector.shape_cast %get3A_229 : vector<1x16xf32> to vector<16xf32>
        %mul3A_231 = arith.constant 8.000000e+00 : f32
        %mul3A_232 = vector.broadcast %mul3A_231 : f32 to vector<16xf32>
        %mul3A_233 = arith.mulf %get3A_230, %mul3A_232 : vector<16xf32>
        %add3A_234 = arith.constant 1 : i32
        %add3A_235 = arith.addi %mul3A_130, %add3A_234 : i32
        %swap3A_236 = arith.index_cast %add3A_235 : i32 to index
        %swap3A_237 = arith.constant 32 : index
        %swap3A_238 = tpu.vector_load %arg8[%swap3A_236, %swap3A_237] {strides = array<i32>} : memref<200x64xf32, #tpu.memory_space<vmem>>, vector<1x16xf32>,
        %swap3A_239 = vector.shape_cast %swap3A_238 : vector<1x16xf32> to vector<16xf32>
        %swap3A_240 = vector.shape_cast %mul3A_233 : vector<16xf32> to vector<1x16xf32>
        tpu.vector_store %arg8[%swap3A_236, %swap3A_237], %swap3A_240 {strides = array<i32>} : memref<200x64xf32, #tpu.memory_space<vmem>>, vector<1x16xf32>,
        %add3A_241 = arith.constant 1 : i32
        %add3A_242 = arith.addi %mul3A_130, %add3A_241 : i32
        %get3A_243 = arith.index_cast %add3A_242 : i32 to index
        %get3A_244 = arith.constant 48 : index
        %get3A_245 = tpu.vector_load %arg8[%get3A_243, %get3A_244] {strides = array<i32>} : memref<200x64xf32, #tpu.memory_space<vmem>>, vector<1x16xf32>,
        %get3A_246 = vector.shape_cast %get3A_245 : vector<1x16xf32> to vector<16xf32>
        %mul3A_247 = arith.constant 8.000000e+00 : f32
        %mul3A_248 = vector.broadcast %mul3A_247 : f32 to vector<16xf32>
        %mul3A_249 = arith.mulf %get3A_246, %mul3A_248 : vector<16xf32>
        %add3A_250 = arith.constant 1 : i32
        %add3A_251 = arith.addi %mul3A_130, %add3A_250 : i32
        %swap3A_252 = arith.index_cast %add3A_251 : i32 to index
        %swap3A_253 = arith.constant 48 : index
        %swap3A_254 = tpu.vector_load %arg8[%swap3A_252, %swap3A_253] {strides = array<i32>} : memref<200x64xf32, #tpu.memory_space<vmem>>, vector<1x16xf32>,
        %swap3A_255 = vector.shape_cast %swap3A_254 : vector<1x16xf32> to vector<16xf32>
        %swap3A_256 = vector.shape_cast %mul3A_249 : vector<16xf32> to vector<1x16xf32>
        tpu.vector_store %arg8[%swap3A_252, %swap3A_253], %swap3A_256 {strides = array<i32>} : memref<200x64xf32, #tpu.memory_space<vmem>>, vector<1x16xf32>,
        %add3A_257 = arith.constant 2 : i32
        %add3A_258 = arith.addi %mul3A_130, %add3A_257 : i32
        %get3A_259 = arith.index_cast %add3A_258 : i32 to index
        %get3A_260 = arith.constant 0 : index
        %get3A_261 = tpu.vector_load %arg8[%get3A_259, %get3A_260] {strides = array<i32>} : memref<200x64xf32, #tpu.memory_space<vmem>>, vector<1x16xf32>,
        %get3A_262 = vector.shape_cast %get3A_261 : vector<1x16xf32> to vector<16xf32>
        %mul3A_263 = arith.constant 8.000000e+00 : f32
        %mul3A_264 = vector.broadcast %mul3A_263 : f32 to vector<16xf32>
        %mul3A_265 = arith.mulf %get3A_262, %mul3A_264 : vector<16xf32>
        %add3A_266 = arith.constant 2 : i32
        %add3A_267 = arith.addi %mul3A_130, %add3A_266 : i32
        %swap3A_268 = arith.index_cast %add3A_267 : i32 to index
        %swap3A_269 = arith.constant 0 : index
        %swap3A_270 = tpu.vector_load %arg8[%swap3A_268, %swap3A_269] {strides = array<i32>} : memref<200x64xf32, #tpu.memory_space<vmem>>, vector<1x16xf32>,
        %swap3A_271 = vector.shape_cast %swap3A_270 : vector<1x16xf32> to vector<16xf32>
        %swap3A_272 = vector.shape_cast %mul3A_265 : vector<16xf32> to vector<1x16xf32>
        tpu.vector_store %arg8[%swap3A_268, %swap3A_269], %swap3A_272 {strides = array<i32>} : memref<200x64xf32, #tpu.memory_space<vmem>>, vector<1x16xf32>,
        %add3A_273 = arith.constant 2 : i32
        %add3A_274 = arith.addi %mul3A_130, %add3A_273 : i32
        %get3A_275 = arith.index_cast %add3A_274 : i32 to index
        %get3A_276 = arith.constant 16 : index
        %get3A_277 = tpu.vector_load %arg8[%get3A_275, %get3A_276] {strides = array<i32>} : memref<200x64xf32, #tpu.memory_space<vmem>>, vector<1x16xf32>,
        %get3A_278 = vector.shape_cast %get3A_277 : vector<1x16xf32> to vector<16xf32>
        %mul3A_279 = arith.constant 8.000000e+00 : f32
        %mul3A_280 = vector.broadcast %mul3A_279 : f32 to vector<16xf32>
        %mul3A_281 = arith.mulf %get3A_278, %mul3A_280 : vector<16xf32>
        %add3A_282 = arith.constant 2 : i32
        %add3A_283 = arith.addi %mul3A_130, %add3A_282 : i32
        %swap3A_284 = arith.index_cast %add3A_283 : i32 to index
        %swap3A_285 = arith.constant 16 : index
        %swap3A_286 = tpu.vector_load %arg8[%swap3A_284, %swap3A_285] {strides = array<i32>} : memref<200x64xf32, #tpu.memory_space<vmem>>, vector<1x16xf32>,
        %swap3A_287 = vector.shape_cast %swap3A_286 : vector<1x16xf32> to vector<16xf32>
        %swap3A_288 = vector.shape_cast %mul3A_281 : vector<16xf32> to vector<1x16xf32>
        tpu.vector_store %arg8[%swap3A_284, %swap3A_285], %swap3A_288 {strides = array<i32>} : memref<200x64xf32, #tpu.memory_space<vmem>>, vector<1x16xf32>,
        %add3A_289 = arith.constant 2 : i32
        %add3A_290 = arith.addi %mul3A_130, %add3A_289 : i32
        %get3A_291 = arith.index_cast %add3A_290 : i32 to index
        %get3A_292 = arith.constant 32 : index
        %get3A_293 = tpu.vector_load %arg8[%get3A_291, %get3A_292] {strides = array<i32>} : memref<200x64xf32, #tpu.memory_space<vmem>>, vector<1x16xf32>,
        %get3A_294 = vector.shape_cast %get3A_293 : vector<1x16xf32> to vector<16xf32>
        %mul3A_295 = arith.constant 8.000000e+00 : f32
        %mul3A_296 = vector.broadcast %mul3A_295 : f32 to vector<16xf32>
        %mul3A_297 = arith.mulf %get3A_294, %mul3A_296 : vector<16xf32>
        %add3A_298 = arith.constant 2 : i32
        %add3A_299 = arith.addi %mul3A_130, %add3A_298 : i32
        %swap3A_300 = arith.index_cast %add3A_299 : i32 to index
        %swap3A_301 = arith.constant 32 : index
        %swap3A_302 = tpu.vector_load %arg8[%swap3A_300, %swap3A_301] {strides = array<i32>} : memref<200x64xf32, #tpu.memory_space<vmem>>, vector<1x16xf32>,
        %swap3A_303 = vector.shape_cast %swap3A_302 : vector<1x16xf32> to vector<16xf32>
        %swap3A_304 = vector.shape_cast %mul3A_297 : vector<16xf32> to vector<1x16xf32>
        tpu.vector_store %arg8[%swap3A_300, %swap3A_301], %swap3A_304 {strides = array<i32>} : memref<200x64xf32, #tpu.memory_space<vmem>>, vector<1x16xf32>,
        %add3A_305 = arith.constant 2 : i32
        %add3A_306 = arith.addi %mul3A_130, %add3A_305 : i32
        %get3A_307 = arith.index_cast %add3A_306 : i32 to index
        %get3A_308 = arith.constant 48 : index
        %get3A_309 = tpu.vector_load %arg8[%get3A_307, %get3A_308] {strides = array<i32>} : memref<200x64xf32, #tpu.memory_space<vmem>>, vector<1x16xf32>,
        %get3A_310 = vector.shape_cast %get3A_309 : vector<1x16xf32> to vector<16xf32>
        %mul3A_311 = arith.constant 8.000000e+00 : f32
        %mul3A_312 = vector.broadcast %mul3A_311 : f32 to vector<16xf32>
        %mul3A_313 = arith.mulf %get3A_310, %mul3A_312 : vector<16xf32>
        %add3A_314 = arith.constant 2 : i32
        %add3A_315 = arith.addi %mul3A_130, %add3A_314 : i32
        %swap3A_316 = arith.index_cast %add3A_315 : i32 to index
        %swap3A_317 = arith.constant 48 : index
        %swap3A_318 = tpu.vector_load %arg8[%swap3A_316, %swap3A_317] {strides = array<i32>} : memref<200x64xf32, #tpu.memory_space<vmem>>, vector<1x16xf32>,
        %swap3A_319 = vector.shape_cast %swap3A_318 : vector<1x16xf32> to vector<16xf32>
        %swap3A_320 = vector.shape_cast %mul3A_313 : vector<16xf32> to vector<1x16xf32>
        tpu.vector_store %arg8[%swap3A_316, %swap3A_317], %swap3A_320 {strides = array<i32>} : memref<200x64xf32, #tpu.memory_space<vmem>>, vector<1x16xf32>,
        %add3A_321 = arith.constant 3 : i32
        %add3A_322 = arith.addi %mul3A_130, %add3A_321 : i32
        %get3A_323 = arith.index_cast %add3A_322 : i32 to index
        %get3A_324 = arith.constant 0 : index
        %get3A_325 = tpu.vector_load %arg8[%get3A_323, %get3A_324] {strides = array<i32>} : memref<200x64xf32, #tpu.memory_space<vmem>>, vector<1x16xf32>,
        %get3A_326 = vector.shape_cast %get3A_325 : vector<1x16xf32> to vector<16xf32>
        %mul3A_327 = arith.constant 8.000000e+00 : f32
        %mul3A_328 = vector.broadcast %mul3A_327 : f32 to vector<16xf32>
        %mul3A_329 = arith.mulf %get3A_326, %mul3A_328 : vector<16xf32>
        %add3A_330 = arith.constant 3 : i32
        %add3A_331 = arith.addi %mul3A_130, %add3A_330 : i32
        %swap3A_332 = arith.index_cast %add3A_331 : i32 to index
        %swap3A_333 = arith.constant 0 : index
        %swap3A_334 = tpu.vector_load %arg8[%swap3A_332, %swap3A_333] {strides = array<i32>} : memref<200x64xf32, #tpu.memory_space<vmem>>, vector<1x16xf32>,
        %swap3A_335 = vector.shape_cast %swap3A_334 : vector<1x16xf32> to vector<16xf32>
        %swap3A_336 = vector.shape_cast %mul3A_329 : vector<16xf32> to vector<1x16xf32>
        tpu.vector_store %arg8[%swap3A_332, %swap3A_333], %swap3A_336 {strides = array<i32>} : memref<200x64xf32, #tpu.memory_space<vmem>>, vector<1x16xf32>,
        %add3A_337 = arith.constant 3 : i32
        %add3A_338 = arith.addi %mul3A_130, %add3A_337 : i32
        %get3A_339 = arith.index_cast %add3A_338 : i32 to index
        %get3A_340 = arith.constant 16 : index
        %get3A_341 = tpu.vector_load %arg8[%get3A_339, %get3A_340] {strides = array<i32>} : memref<200x64xf32, #tpu.memory_space<vmem>>, vector<1x16xf32>,
        %get3A_342 = vector.shape_cast %get3A_341 : vector<1x16xf32> to vector<16xf32>
        %mul3A_343 = arith.constant 8.000000e+00 : f32
        %mul3A_344 = vector.broadcast %mul3A_343 : f32 to vector<16xf32>
        %mul3A_345 = arith.mulf %get3A_342, %mul3A_344 : vector<16xf32>
        %add3A_346 = arith.constant 3 : i32
        %add3A_347 = arith.addi %mul3A_130, %add3A_346 : i32
        %swap3A_348 = arith.index_cast %add3A_347 : i32 to index
        %swap3A_349 = arith.constant 16 : index
        %swap3A_350 = tpu.vector_load %arg8[%swap3A_348, %swap3A_349] {strides = array<i32>} : memref<200x64xf32, #tpu.memory_space<vmem>>, vector<1x16xf32>,
        %swap3A_351 = vector.shape_cast %swap3A_350 : vector<1x16xf32> to vector<16xf32>
        %swap3A_352 = vector.shape_cast %mul3A_345 : vector<16xf32> to vector<1x16xf32>
        tpu.vector_store %arg8[%swap3A_348, %swap3A_349], %swap3A_352 {strides = array<i32>} : memref<200x64xf32, #tpu.memory_space<vmem>>, vector<1x16xf32>,
        %add3A_353 = arith.constant 3 : i32
        %add3A_354 = arith.addi %mul3A_130, %add3A_353 : i32
        %get3A_355 = arith.index_cast %add3A_354 : i32 to index
        %get3A_356 = arith.constant 32 : index
        %get3A_357 = tpu.vector_load %arg8[%get3A_355, %get3A_356] {strides = array<i32>} : memref<200x64xf32, #tpu.memory_space<vmem>>, vector<1x16xf32>,
        %get3A_358 = vector.shape_cast %get3A_357 : vector<1x16xf32> to vector<16xf32>
        %mul3A_359 = arith.constant 8.000000e+00 : f32
        %mul3A_360 = vector.broadcast %mul3A_359 : f32 to vector<16xf32>
        %mul3A_361 = arith.mulf %get3A_358, %mul3A_360 : vector<16xf32>
        %add3A_362 = arith.constant 3 : i32
        %add3A_363 = arith.addi %mul3A_130, %add3A_362 : i32
        %swap3A_364 = arith.index_cast %add3A_363 : i32 to index
        %swap3A_365 = arith.constant 32 : index
        %swap3A_366 = tpu.vector_load %arg8[%swap3A_364, %swap3A_365] {strides = array<i32>} : memref<200x64xf32, #tpu.memory_space<vmem>>, vector<1x16xf32>,
        %swap3A_367 = vector.shape_cast %swap3A_366 : vector<1x16xf32> to vector<16xf32>
        %swap3A_368 = vector.shape_cast %mul3A_361 : vector<16xf32> to vector<1x16xf32>
        tpu.vector_store %arg8[%swap3A_364, %swap3A_365], %swap3A_368 {strides = array<i32>} : memref<200x64xf32, #tpu.memory_space<vmem>>, vector<1x16xf32>,
        %add3A_369 = arith.constant 3 : i32
        %add3A_370 = arith.addi %mul3A_130, %add3A_369 : i32
        %get3A_371 = arith.index_cast %add3A_370 : i32 to index
        %get3A_372 = arith.constant 48 : index
        %get3A_373 = tpu.vector_load %arg8[%get3A_371, %get3A_372] {strides = array<i32>} : memref<200x64xf32, #tpu.memory_space<vmem>>, vector<1x16xf32>,
        %get3A_374 = vector.shape_cast %get3A_373 : vector<1x16xf32> to vector<16xf32>
        %mul3A_375 = arith.constant 8.000000e+00 : f32
        %mul3A_376 = vector.broadcast %mul3A_375 : f32 to vector<16xf32>
        %mul3A_377 = arith.mulf %get3A_374, %mul3A_376 : vector<16xf32>
        %add3A_378 = arith.constant 3 : i32
        %add3A_379 = arith.addi %mul3A_130, %add3A_378 : i32
        %swap3A_380 = arith.index_cast %add3A_379 : i32 to index
        %swap3A_381 = arith.constant 48 : index
        %swap3A_382 = tpu.vector_load %arg8[%swap3A_380, %swap3A_381] {strides = array<i32>} : memref<200x64xf32, #tpu.memory_space<vmem>>, vector<1x16xf32>,
        %swap3A_383 = vector.shape_cast %swap3A_382 : vector<1x16xf32> to vector<16xf32>
        %swap3A_384 = vector.shape_cast %mul3A_377 : vector<16xf32> to vector<1x16xf32>
        tpu.vector_store %arg8[%swap3A_380, %swap3A_381], %swap3A_384 {strides = array<i32>} : memref<200x64xf32, #tpu.memory_space<vmem>>, vector<1x16xf32>,
      }
      %scan3A_95 = arith.constant 50 : i32
      %add3A_96 = arith.addi %mul3A_2, %add3A_83 : i32
      "tpu.region"() ({
        %run_scoped3A = tpu.sem_alloc : memref<!tpu.dma_semaphore, #tpu.memory_space<semaphore_mem>>
        %dma_start3A_128 = arith.constant 0 : i32
        %dma_start3A_129 = arith.constant 0 : i32
        %dma_start3A_130 = tpu.memref_slice %arg4[%add3A_96, %dma_start3A_128, %dma_start3A_129] : memref<4096x200x64xf32, #tpu.memory_space<hbm>> -> memref<1x200x64xf32, #tpu.memory_space<hbm>>
        %dma_start3A_131 = tpu.memref_squeeze %dma_start3A_130 : memref<1x200x64xf32, #tpu.memory_space<hbm>> -> memref<200x64xf32, #tpu.memory_space<hbm>>
        %dma_start3A_132 = arith.constant 0 : i32
        %dma_start3A_133 = arith.constant 0 : i32
        %dma_start3A_134 = tpu.memref_slice %arg4[%add3A_96, %dma_start3A_132, %dma_start3A_133] : memref<4096x200x64xf32, #tpu.memory_space<hbm>> -> memref<1x200x64xf32, #tpu.memory_space<hbm>>
        %dma_start3A_135 = tpu.memref_squeeze %dma_start3A_134 : memref<1x200x64xf32, #tpu.memory_space<hbm>> -> memref<200x64xf32, #tpu.memory_space<hbm>>
        tpu.enqueue_dma source(%arg8 : memref<200x64xf32, #tpu.memory_space<vmem>>) target(%dma_start3A_135 : memref<200x64xf32, #tpu.memory_space<hbm>>) target_semaphore(%run_scoped3A : memref<!tpu.dma_semaphore, #tpu.memory_space<semaphore_mem>>)
        %dma_wait3A_136 = arith.constant 0 : i32
        %dma_wait3A_137 = arith.constant 0 : i32
        %dma_wait3A_138 = tpu.memref_slice %arg4[%add3A_96, %dma_wait3A_136, %dma_wait3A_137] : memref<4096x200x64xf32, #tpu.memory_space<hbm>> -> memref<1x200x64xf32, #tpu.memory_space<hbm>>
        %dma_wait3A_139 = tpu.memref_squeeze %dma_wait3A_138 : memref<1x200x64xf32, #tpu.memory_space<hbm>> -> memref<200x64xf32, #tpu.memory_space<hbm>>
        %dma_wait3A_140 = arith.constant 0 : i32
        %dma_wait3A_141 = arith.constant 0 : i32
        %dma_wait3A_142 = tpu.memref_slice %arg4[%add3A_96, %dma_wait3A_140, %dma_wait3A_141] : memref<4096x200x64xf32, #tpu.memory_space<hbm>> -> memref<1x200x64xf32, #tpu.memory_space<hbm>>
        %dma_wait3A_143 = tpu.memref_squeeze %dma_wait3A_142 : memref<1x200x64xf32, #tpu.memory_space<hbm>> -> memref<200x64xf32, #tpu.memory_space<hbm>>
        tpu.wait_dma2 semaphore(%run_scoped3A : memref<!tpu.dma_semaphore, #tpu.memory_space<semaphore_mem>>) src(%arg8 : memref<200x64xf32, #tpu.memory_space<vmem>>) dst(%dma_wait3A_143 : memref<200x64xf32, #tpu.memory_space<hbm>>)
        tpu.yield
      }) : () -> ()
      %add3A_97 = arith.constant 4 : i32
      %add3A_98 = arith.addi %add3A_83, %add3A_97 : i32
      %lt3A_99 = arith.constant 128 : i32
      %lt3A_100 = arith.cmpi slt, %add3A_98, %lt3A_99 : i32
      %convert_element_type3A_101 = arith.extui %lt3A_100 : i1 to i32
      %cond3A_102 = arith.constant 0 : i32
      %cond3A_103 = arith.cmpi ne, %convert_element_type3A_101, %cond3A_102 : i32
      scf.if %cond3A_103 {
        %add3A_128 = arith.constant 4 : i32
        %add3A_129 = arith.addi %add3A_83, %add3A_128 : i32
        %dma_start3A_130 = arith.constant 0 : i32
        %dma_start3A_131 = tpu.memref_slice %arg5[%add3A_129, %dma_start3A_130] : memref<128x200xi32, #tpu.memory_space<vmem>> -> memref<1x200xi32, #tpu.memory_space<vmem>>
        %dma_start3A_132 = tpu.memref_squeeze %dma_start3A_131 : memref<1x200xi32, #tpu.memory_space<vmem>> -> memref<200xi32, #tpu.memory_space<vmem>>
        %dma_start3A_133 = arith.constant 0 : i32
        %dma_start3A_134 = arith.constant 0 : i32
        %dma_start3A_135 = tpu.memref_slice %arg3[%dma_start3A_133, %dma_start3A_134] : memref<1000000x64xf32, #tpu.memory_space<hbm>> -> memref<1000000x64xf32, #tpu.memory_space<hbm>>
        tpu.enqueue_indirect_dma source(%dma_start3A_135 : memref<1000000x64xf32, #tpu.memory_space<hbm>>) target(%arg8 : memref<200x64xf32, #tpu.memory_space<vmem>>) offsets(%dma_start3A_132 : memref<200xi32, #tpu.memory_space<vmem>>) semaphore(%arg12 : memref<!tpu.dma_semaphore, #tpu.memory_space<semaphore_mem>>)
      } else {
      }
      %mul3A_104 = arith.constant 4 : i32
      %mul3A_105 = arith.muli %scan3A_35, %mul3A_104 : i32
      %add3A_106 = arith.constant 3 : i32
      %add3A_107 = arith.addi %mul3A_105, %add3A_106 : i32
      %dma_wait3A_108 = arith.constant 0 : i32
      %dma_wait3A_109 = tpu.memref_slice %arg5[%add3A_107, %dma_wait3A_108] : memref<128x200xi32, #tpu.memory_space<vmem>> -> memref<1x200xi32, #tpu.memory_space<vmem>>
      %dma_wait3A_110 = tpu.memref_squeeze %dma_wait3A_109 : memref<1x200xi32, #tpu.memory_space<vmem>> -> memref<200xi32, #tpu.memory_space<vmem>>
      %dma_wait3A_111 = arith.constant 0 : i32
      %dma_wait3A_112 = arith.constant 0 : i32
      %dma_wait3A_113 = tpu.memref_slice %arg3[%dma_wait3A_111, %dma_wait3A_112] : memref<1000000x64xf32, #tpu.memory_space<hbm>> -> memref<1000000x64xf32, #tpu.memory_space<hbm>>
      tpu.wait_indirect_dma semaphore(%arg13 : memref<!tpu.dma_semaphore, #tpu.memory_space<semaphore_mem>>) src(%dma_wait3A_113 : memref<1000000x64xf32, #tpu.memory_space<hbm>>) dst(%arg9 : memref<200x64xf32, #tpu.memory_space<vmem>>)
      %scan3A_114 = arith.constant 0 : i32
      %scan3A_115 = arith.constant 0 : i32
      %scan3A_116 = arith.constant 50 : i32
      %scan3A_117 = arith.addi %scan3A_115, %scan3A_116 : i32
      %scan3A_118 = arith.constant 1 : i32
      scf.for %scan3A_128 = %scan3A_115 to %scan3A_117 step %scan3A_118  : i32 {
        %mul3A_129 = arith.constant 4 : i32
        %mul3A_130 = arith.muli %scan3A_128, %mul3A_129 : i32
        %add3A_131 = arith.constant 0 : i32
        %add3A_132 = arith.addi %mul3A_130, %add3A_131 : i32
        %get3A = arith.index_cast %add3A_132 : i32 to index
        %get3A_133 = arith.constant 0 : index
        %get3A_134 = tpu.vector_load %arg9[%get3A, %get3A_133] {strides = array<i32>} : memref<200x64xf32, #tpu.memory_space<vmem>>, vector<1x16xf32>,
        %get3A_135 = vector.shape_cast %get3A_134 : vector<1x16xf32> to vector<16xf32>
        %mul3A_136 = arith.constant 8.000000e+00 : f32
        %mul3A_137 = vector.broadcast %mul3A_136 : f32 to vector<16xf32>
        %mul3A_138 = arith.mulf %get3A_135, %mul3A_137 : vector<16xf32>
        %add3A_139 = arith.constant 0 : i32
        %add3A_140 = arith.addi %mul3A_130, %add3A_139 : i32
        %swap3A = arith.index_cast %add3A_140 : i32 to index
        %swap3A_141 = arith.constant 0 : index
        %swap3A_142 = tpu.vector_load %arg9[%swap3A, %swap3A_141] {strides = array<i32>} : memref<200x64xf32, #tpu.memory_space<vmem>>, vector<1x16xf32>,
        %swap3A_143 = vector.shape_cast %swap3A_142 : vector<1x16xf32> to vector<16xf32>
        %swap3A_144 = vector.shape_cast %mul3A_138 : vector<16xf32> to vector<1x16xf32>
        tpu.vector_store %arg9[%swap3A, %swap3A_141], %swap3A_144 {strides = array<i32>} : memref<200x64xf32, #tpu.memory_space<vmem>>, vector<1x16xf32>,
        %add3A_145 = arith.constant 0 : i32
        %add3A_146 = arith.addi %mul3A_130, %add3A_145 : i32
        %get3A_147 = arith.index_cast %add3A_146 : i32 to index
        %get3A_148 = arith.constant 16 : index
        %get3A_149 = tpu.vector_load %arg9[%get3A_147, %get3A_148] {strides = array<i32>} : memref<200x64xf32, #tpu.memory_space<vmem>>, vector<1x16xf32>,
        %get3A_150 = vector.shape_cast %get3A_149 : vector<1x16xf32> to vector<16xf32>
        %mul3A_151 = arith.constant 8.000000e+00 : f32
        %mul3A_152 = vector.broadcast %mul3A_151 : f32 to vector<16xf32>
        %mul3A_153 = arith.mulf %get3A_150, %mul3A_152 : vector<16xf32>
        %add3A_154 = arith.constant 0 : i32
        %add3A_155 = arith.addi %mul3A_130, %add3A_154 : i32
        %swap3A_156 = arith.index_cast %add3A_155 : i32 to index
        %swap3A_157 = arith.constant 16 : index
        %swap3A_158 = tpu.vector_load %arg9[%swap3A_156, %swap3A_157] {strides = array<i32>} : memref<200x64xf32, #tpu.memory_space<vmem>>, vector<1x16xf32>,
        %swap3A_159 = vector.shape_cast %swap3A_158 : vector<1x16xf32> to vector<16xf32>
        %swap3A_160 = vector.shape_cast %mul3A_153 : vector<16xf32> to vector<1x16xf32>
        tpu.vector_store %arg9[%swap3A_156, %swap3A_157], %swap3A_160 {strides = array<i32>} : memref<200x64xf32, #tpu.memory_space<vmem>>, vector<1x16xf32>,
        %add3A_161 = arith.constant 0 : i32
        %add3A_162 = arith.addi %mul3A_130, %add3A_161 : i32
        %get3A_163 = arith.index_cast %add3A_162 : i32 to index
        %get3A_164 = arith.constant 32 : index
        %get3A_165 = tpu.vector_load %arg9[%get3A_163, %get3A_164] {strides = array<i32>} : memref<200x64xf32, #tpu.memory_space<vmem>>, vector<1x16xf32>,
        %get3A_166 = vector.shape_cast %get3A_165 : vector<1x16xf32> to vector<16xf32>
        %mul3A_167 = arith.constant 8.000000e+00 : f32
        %mul3A_168 = vector.broadcast %mul3A_167 : f32 to vector<16xf32>
        %mul3A_169 = arith.mulf %get3A_166, %mul3A_168 : vector<16xf32>
        %add3A_170 = arith.constant 0 : i32
        %add3A_171 = arith.addi %mul3A_130, %add3A_170 : i32
        %swap3A_172 = arith.index_cast %add3A_171 : i32 to index
        %swap3A_173 = arith.constant 32 : index
        %swap3A_174 = tpu.vector_load %arg9[%swap3A_172, %swap3A_173] {strides = array<i32>} : memref<200x64xf32, #tpu.memory_space<vmem>>, vector<1x16xf32>,
        %swap3A_175 = vector.shape_cast %swap3A_174 : vector<1x16xf32> to vector<16xf32>
        %swap3A_176 = vector.shape_cast %mul3A_169 : vector<16xf32> to vector<1x16xf32>
        tpu.vector_store %arg9[%swap3A_172, %swap3A_173], %swap3A_176 {strides = array<i32>} : memref<200x64xf32, #tpu.memory_space<vmem>>, vector<1x16xf32>,
        %add3A_177 = arith.constant 0 : i32
        %add3A_178 = arith.addi %mul3A_130, %add3A_177 : i32
        %get3A_179 = arith.index_cast %add3A_178 : i32 to index
        %get3A_180 = arith.constant 48 : index
        %get3A_181 = tpu.vector_load %arg9[%get3A_179, %get3A_180] {strides = array<i32>} : memref<200x64xf32, #tpu.memory_space<vmem>>, vector<1x16xf32>,
        %get3A_182 = vector.shape_cast %get3A_181 : vector<1x16xf32> to vector<16xf32>
        %mul3A_183 = arith.constant 8.000000e+00 : f32
        %mul3A_184 = vector.broadcast %mul3A_183 : f32 to vector<16xf32>
        %mul3A_185 = arith.mulf %get3A_182, %mul3A_184 : vector<16xf32>
        %add3A_186 = arith.constant 0 : i32
        %add3A_187 = arith.addi %mul3A_130, %add3A_186 : i32
        %swap3A_188 = arith.index_cast %add3A_187 : i32 to index
        %swap3A_189 = arith.constant 48 : index
        %swap3A_190 = tpu.vector_load %arg9[%swap3A_188, %swap3A_189] {strides = array<i32>} : memref<200x64xf32, #tpu.memory_space<vmem>>, vector<1x16xf32>,
        %swap3A_191 = vector.shape_cast %swap3A_190 : vector<1x16xf32> to vector<16xf32>
        %swap3A_192 = vector.shape_cast %mul3A_185 : vector<16xf32> to vector<1x16xf32>
        tpu.vector_store %arg9[%swap3A_188, %swap3A_189], %swap3A_192 {strides = array<i32>} : memref<200x64xf32, #tpu.memory_space<vmem>>, vector<1x16xf32>,
        %add3A_193 = arith.constant 1 : i32
        %add3A_194 = arith.addi %mul3A_130, %add3A_193 : i32
        %get3A_195 = arith.index_cast %add3A_194 : i32 to index
        %get3A_196 = arith.constant 0 : index
        %get3A_197 = tpu.vector_load %arg9[%get3A_195, %get3A_196] {strides = array<i32>} : memref<200x64xf32, #tpu.memory_space<vmem>>, vector<1x16xf32>,
        %get3A_198 = vector.shape_cast %get3A_197 : vector<1x16xf32> to vector<16xf32>
        %mul3A_199 = arith.constant 8.000000e+00 : f32
        %mul3A_200 = vector.broadcast %mul3A_199 : f32 to vector<16xf32>
        %mul3A_201 = arith.mulf %get3A_198, %mul3A_200 : vector<16xf32>
        %add3A_202 = arith.constant 1 : i32
        %add3A_203 = arith.addi %mul3A_130, %add3A_202 : i32
        %swap3A_204 = arith.index_cast %add3A_203 : i32 to index
        %swap3A_205 = arith.constant 0 : index
        %swap3A_206 = tpu.vector_load %arg9[%swap3A_204, %swap3A_205] {strides = array<i32>} : memref<200x64xf32, #tpu.memory_space<vmem>>, vector<1x16xf32>,
        %swap3A_207 = vector.shape_cast %swap3A_206 : vector<1x16xf32> to vector<16xf32>
        %swap3A_208 = vector.shape_cast %mul3A_201 : vector<16xf32> to vector<1x16xf32>
        tpu.vector_store %arg9[%swap3A_204, %swap3A_205], %swap3A_208 {strides = array<i32>} : memref<200x64xf32, #tpu.memory_space<vmem>>, vector<1x16xf32>,
        %add3A_209 = arith.constant 1 : i32
        %add3A_210 = arith.addi %mul3A_130, %add3A_209 : i32
        %get3A_211 = arith.index_cast %add3A_210 : i32 to index
        %get3A_212 = arith.constant 16 : index
        %get3A_213 = tpu.vector_load %arg9[%get3A_211, %get3A_212] {strides = array<i32>} : memref<200x64xf32, #tpu.memory_space<vmem>>, vector<1x16xf32>,
        %get3A_214 = vector.shape_cast %get3A_213 : vector<1x16xf32> to vector<16xf32>
        %mul3A_215 = arith.constant 8.000000e+00 : f32
        %mul3A_216 = vector.broadcast %mul3A_215 : f32 to vector<16xf32>
        %mul3A_217 = arith.mulf %get3A_214, %mul3A_216 : vector<16xf32>
        %add3A_218 = arith.constant 1 : i32
        %add3A_219 = arith.addi %mul3A_130, %add3A_218 : i32
        %swap3A_220 = arith.index_cast %add3A_219 : i32 to index
        %swap3A_221 = arith.constant 16 : index
        %swap3A_222 = tpu.vector_load %arg9[%swap3A_220, %swap3A_221] {strides = array<i32>} : memref<200x64xf32, #tpu.memory_space<vmem>>, vector<1x16xf32>,
        %swap3A_223 = vector.shape_cast %swap3A_222 : vector<1x16xf32> to vector<16xf32>
        %swap3A_224 = vector.shape_cast %mul3A_217 : vector<16xf32> to vector<1x16xf32>
        tpu.vector_store %arg9[%swap3A_220, %swap3A_221], %swap3A_224 {strides = array<i32>} : memref<200x64xf32, #tpu.memory_space<vmem>>, vector<1x16xf32>,
        %add3A_225 = arith.constant 1 : i32
        %add3A_226 = arith.addi %mul3A_130, %add3A_225 : i32
        %get3A_227 = arith.index_cast %add3A_226 : i32 to index
        %get3A_228 = arith.constant 32 : index
        %get3A_229 = tpu.vector_load %arg9[%get3A_227, %get3A_228] {strides = array<i32>} : memref<200x64xf32, #tpu.memory_space<vmem>>, vector<1x16xf32>,
        %get3A_230 = vector.shape_cast %get3A_229 : vector<1x16xf32> to vector<16xf32>
        %mul3A_231 = arith.constant 8.000000e+00 : f32
        %mul3A_232 = vector.broadcast %mul3A_231 : f32 to vector<16xf32>
        %mul3A_233 = arith.mulf %get3A_230, %mul3A_232 : vector<16xf32>
        %add3A_234 = arith.constant 1 : i32
        %add3A_235 = arith.addi %mul3A_130, %add3A_234 : i32
        %swap3A_236 = arith.index_cast %add3A_235 : i32 to index
        %swap3A_237 = arith.constant 32 : index
        %swap3A_238 = tpu.vector_load %arg9[%swap3A_236, %swap3A_237] {strides = array<i32>} : memref<200x64xf32, #tpu.memory_space<vmem>>, vector<1x16xf32>,
        %swap3A_239 = vector.shape_cast %swap3A_238 : vector<1x16xf32> to vector<16xf32>
        %swap3A_240 = vector.shape_cast %mul3A_233 : vector<16xf32> to vector<1x16xf32>
        tpu.vector_store %arg9[%swap3A_236, %swap3A_237], %swap3A_240 {strides = array<i32>} : memref<200x64xf32, #tpu.memory_space<vmem>>, vector<1x16xf32>,
        %add3A_241 = arith.constant 1 : i32
        %add3A_242 = arith.addi %mul3A_130, %add3A_241 : i32
        %get3A_243 = arith.index_cast %add3A_242 : i32 to index
        %get3A_244 = arith.constant 48 : index
        %get3A_245 = tpu.vector_load %arg9[%get3A_243, %get3A_244] {strides = array<i32>} : memref<200x64xf32, #tpu.memory_space<vmem>>, vector<1x16xf32>,
        %get3A_246 = vector.shape_cast %get3A_245 : vector<1x16xf32> to vector<16xf32>
        %mul3A_247 = arith.constant 8.000000e+00 : f32
        %mul3A_248 = vector.broadcast %mul3A_247 : f32 to vector<16xf32>
        %mul3A_249 = arith.mulf %get3A_246, %mul3A_248 : vector<16xf32>
        %add3A_250 = arith.constant 1 : i32
        %add3A_251 = arith.addi %mul3A_130, %add3A_250 : i32
        %swap3A_252 = arith.index_cast %add3A_251 : i32 to index
        %swap3A_253 = arith.constant 48 : index
        %swap3A_254 = tpu.vector_load %arg9[%swap3A_252, %swap3A_253] {strides = array<i32>} : memref<200x64xf32, #tpu.memory_space<vmem>>, vector<1x16xf32>,
        %swap3A_255 = vector.shape_cast %swap3A_254 : vector<1x16xf32> to vector<16xf32>
        %swap3A_256 = vector.shape_cast %mul3A_249 : vector<16xf32> to vector<1x16xf32>
        tpu.vector_store %arg9[%swap3A_252, %swap3A_253], %swap3A_256 {strides = array<i32>} : memref<200x64xf32, #tpu.memory_space<vmem>>, vector<1x16xf32>,
        %add3A_257 = arith.constant 2 : i32
        %add3A_258 = arith.addi %mul3A_130, %add3A_257 : i32
        %get3A_259 = arith.index_cast %add3A_258 : i32 to index
        %get3A_260 = arith.constant 0 : index
        %get3A_261 = tpu.vector_load %arg9[%get3A_259, %get3A_260] {strides = array<i32>} : memref<200x64xf32, #tpu.memory_space<vmem>>, vector<1x16xf32>,
        %get3A_262 = vector.shape_cast %get3A_261 : vector<1x16xf32> to vector<16xf32>
        %mul3A_263 = arith.constant 8.000000e+00 : f32
        %mul3A_264 = vector.broadcast %mul3A_263 : f32 to vector<16xf32>
        %mul3A_265 = arith.mulf %get3A_262, %mul3A_264 : vector<16xf32>
        %add3A_266 = arith.constant 2 : i32
        %add3A_267 = arith.addi %mul3A_130, %add3A_266 : i32
        %swap3A_268 = arith.index_cast %add3A_267 : i32 to index
        %swap3A_269 = arith.constant 0 : index
        %swap3A_270 = tpu.vector_load %arg9[%swap3A_268, %swap3A_269] {strides = array<i32>} : memref<200x64xf32, #tpu.memory_space<vmem>>, vector<1x16xf32>,
        %swap3A_271 = vector.shape_cast %swap3A_270 : vector<1x16xf32> to vector<16xf32>
        %swap3A_272 = vector.shape_cast %mul3A_265 : vector<16xf32> to vector<1x16xf32>
        tpu.vector_store %arg9[%swap3A_268, %swap3A_269], %swap3A_272 {strides = array<i32>} : memref<200x64xf32, #tpu.memory_space<vmem>>, vector<1x16xf32>,
        %add3A_273 = arith.constant 2 : i32
        %add3A_274 = arith.addi %mul3A_130, %add3A_273 : i32
        %get3A_275 = arith.index_cast %add3A_274 : i32 to index
        %get3A_276 = arith.constant 16 : index
        %get3A_277 = tpu.vector_load %arg9[%get3A_275, %get3A_276] {strides = array<i32>} : memref<200x64xf32, #tpu.memory_space<vmem>>, vector<1x16xf32>,
        %get3A_278 = vector.shape_cast %get3A_277 : vector<1x16xf32> to vector<16xf32>
        %mul3A_279 = arith.constant 8.000000e+00 : f32
        %mul3A_280 = vector.broadcast %mul3A_279 : f32 to vector<16xf32>
        %mul3A_281 = arith.mulf %get3A_278, %mul3A_280 : vector<16xf32>
        %add3A_282 = arith.constant 2 : i32
        %add3A_283 = arith.addi %mul3A_130, %add3A_282 : i32
        %swap3A_284 = arith.index_cast %add3A_283 : i32 to index
        %swap3A_285 = arith.constant 16 : index
        %swap3A_286 = tpu.vector_load %arg9[%swap3A_284, %swap3A_285] {strides = array<i32>} : memref<200x64xf32, #tpu.memory_space<vmem>>, vector<1x16xf32>,
        %swap3A_287 = vector.shape_cast %swap3A_286 : vector<1x16xf32> to vector<16xf32>
        %swap3A_288 = vector.shape_cast %mul3A_281 : vector<16xf32> to vector<1x16xf32>
        tpu.vector_store %arg9[%swap3A_284, %swap3A_285], %swap3A_288 {strides = array<i32>} : memref<200x64xf32, #tpu.memory_space<vmem>>, vector<1x16xf32>,
        %add3A_289 = arith.constant 2 : i32
        %add3A_290 = arith.addi %mul3A_130, %add3A_289 : i32
        %get3A_291 = arith.index_cast %add3A_290 : i32 to index
        %get3A_292 = arith.constant 32 : index
        %get3A_293 = tpu.vector_load %arg9[%get3A_291, %get3A_292] {strides = array<i32>} : memref<200x64xf32, #tpu.memory_space<vmem>>, vector<1x16xf32>,
        %get3A_294 = vector.shape_cast %get3A_293 : vector<1x16xf32> to vector<16xf32>
        %mul3A_295 = arith.constant 8.000000e+00 : f32
        %mul3A_296 = vector.broadcast %mul3A_295 : f32 to vector<16xf32>
        %mul3A_297 = arith.mulf %get3A_294, %mul3A_296 : vector<16xf32>
        %add3A_298 = arith.constant 2 : i32
        %add3A_299 = arith.addi %mul3A_130, %add3A_298 : i32
        %swap3A_300 = arith.index_cast %add3A_299 : i32 to index
        %swap3A_301 = arith.constant 32 : index
        %swap3A_302 = tpu.vector_load %arg9[%swap3A_300, %swap3A_301] {strides = array<i32>} : memref<200x64xf32, #tpu.memory_space<vmem>>, vector<1x16xf32>,
        %swap3A_303 = vector.shape_cast %swap3A_302 : vector<1x16xf32> to vector<16xf32>
        %swap3A_304 = vector.shape_cast %mul3A_297 : vector<16xf32> to vector<1x16xf32>
        tpu.vector_store %arg9[%swap3A_300, %swap3A_301], %swap3A_304 {strides = array<i32>} : memref<200x64xf32, #tpu.memory_space<vmem>>, vector<1x16xf32>,
        %add3A_305 = arith.constant 2 : i32
        %add3A_306 = arith.addi %mul3A_130, %add3A_305 : i32
        %get3A_307 = arith.index_cast %add3A_306 : i32 to index
        %get3A_308 = arith.constant 48 : index
        %get3A_309 = tpu.vector_load %arg9[%get3A_307, %get3A_308] {strides = array<i32>} : memref<200x64xf32, #tpu.memory_space<vmem>>, vector<1x16xf32>,
        %get3A_310 = vector.shape_cast %get3A_309 : vector<1x16xf32> to vector<16xf32>
        %mul3A_311 = arith.constant 8.000000e+00 : f32
        %mul3A_312 = vector.broadcast %mul3A_311 : f32 to vector<16xf32>
        %mul3A_313 = arith.mulf %get3A_310, %mul3A_312 : vector<16xf32>
        %add3A_314 = arith.constant 2 : i32
        %add3A_315 = arith.addi %mul3A_130, %add3A_314 : i32
        %swap3A_316 = arith.index_cast %add3A_315 : i32 to index
        %swap3A_317 = arith.constant 48 : index
        %swap3A_318 = tpu.vector_load %arg9[%swap3A_316, %swap3A_317] {strides = array<i32>} : memref<200x64xf32, #tpu.memory_space<vmem>>, vector<1x16xf32>,
        %swap3A_319 = vector.shape_cast %swap3A_318 : vector<1x16xf32> to vector<16xf32>
        %swap3A_320 = vector.shape_cast %mul3A_313 : vector<16xf32> to vector<1x16xf32>
        tpu.vector_store %arg9[%swap3A_316, %swap3A_317], %swap3A_320 {strides = array<i32>} : memref<200x64xf32, #tpu.memory_space<vmem>>, vector<1x16xf32>,
        %add3A_321 = arith.constant 3 : i32
        %add3A_322 = arith.addi %mul3A_130, %add3A_321 : i32
        %get3A_323 = arith.index_cast %add3A_322 : i32 to index
        %get3A_324 = arith.constant 0 : index
        %get3A_325 = tpu.vector_load %arg9[%get3A_323, %get3A_324] {strides = array<i32>} : memref<200x64xf32, #tpu.memory_space<vmem>>, vector<1x16xf32>,
        %get3A_326 = vector.shape_cast %get3A_325 : vector<1x16xf32> to vector<16xf32>
        %mul3A_327 = arith.constant 8.000000e+00 : f32
        %mul3A_328 = vector.broadcast %mul3A_327 : f32 to vector<16xf32>
        %mul3A_329 = arith.mulf %get3A_326, %mul3A_328 : vector<16xf32>
        %add3A_330 = arith.constant 3 : i32
        %add3A_331 = arith.addi %mul3A_130, %add3A_330 : i32
        %swap3A_332 = arith.index_cast %add3A_331 : i32 to index
        %swap3A_333 = arith.constant 0 : index
        %swap3A_334 = tpu.vector_load %arg9[%swap3A_332, %swap3A_333] {strides = array<i32>} : memref<200x64xf32, #tpu.memory_space<vmem>>, vector<1x16xf32>,
        %swap3A_335 = vector.shape_cast %swap3A_334 : vector<1x16xf32> to vector<16xf32>
        %swap3A_336 = vector.shape_cast %mul3A_329 : vector<16xf32> to vector<1x16xf32>
        tpu.vector_store %arg9[%swap3A_332, %swap3A_333], %swap3A_336 {strides = array<i32>} : memref<200x64xf32, #tpu.memory_space<vmem>>, vector<1x16xf32>,
        %add3A_337 = arith.constant 3 : i32
        %add3A_338 = arith.addi %mul3A_130, %add3A_337 : i32
        %get3A_339 = arith.index_cast %add3A_338 : i32 to index
        %get3A_340 = arith.constant 16 : index
        %get3A_341 = tpu.vector_load %arg9[%get3A_339, %get3A_340] {strides = array<i32>} : memref<200x64xf32, #tpu.memory_space<vmem>>, vector<1x16xf32>,
        %get3A_342 = vector.shape_cast %get3A_341 : vector<1x16xf32> to vector<16xf32>
        %mul3A_343 = arith.constant 8.000000e+00 : f32
        %mul3A_344 = vector.broadcast %mul3A_343 : f32 to vector<16xf32>
        %mul3A_345 = arith.mulf %get3A_342, %mul3A_344 : vector<16xf32>
        %add3A_346 = arith.constant 3 : i32
        %add3A_347 = arith.addi %mul3A_130, %add3A_346 : i32
        %swap3A_348 = arith.index_cast %add3A_347 : i32 to index
        %swap3A_349 = arith.constant 16 : index
        %swap3A_350 = tpu.vector_load %arg9[%swap3A_348, %swap3A_349] {strides = array<i32>} : memref<200x64xf32, #tpu.memory_space<vmem>>, vector<1x16xf32>,
        %swap3A_351 = vector.shape_cast %swap3A_350 : vector<1x16xf32> to vector<16xf32>
        %swap3A_352 = vector.shape_cast %mul3A_345 : vector<16xf32> to vector<1x16xf32>
        tpu.vector_store %arg9[%swap3A_348, %swap3A_349], %swap3A_352 {strides = array<i32>} : memref<200x64xf32, #tpu.memory_space<vmem>>, vector<1x16xf32>,
        %add3A_353 = arith.constant 3 : i32
        %add3A_354 = arith.addi %mul3A_130, %add3A_353 : i32
        %get3A_355 = arith.index_cast %add3A_354 : i32 to index
        %get3A_356 = arith.constant 32 : index
        %get3A_357 = tpu.vector_load %arg9[%get3A_355, %get3A_356] {strides = array<i32>} : memref<200x64xf32, #tpu.memory_space<vmem>>, vector<1x16xf32>,
        %get3A_358 = vector.shape_cast %get3A_357 : vector<1x16xf32> to vector<16xf32>
        %mul3A_359 = arith.constant 8.000000e+00 : f32
        %mul3A_360 = vector.broadcast %mul3A_359 : f32 to vector<16xf32>
        %mul3A_361 = arith.mulf %get3A_358, %mul3A_360 : vector<16xf32>
        %add3A_362 = arith.constant 3 : i32
        %add3A_363 = arith.addi %mul3A_130, %add3A_362 : i32
        %swap3A_364 = arith.index_cast %add3A_363 : i32 to index
        %swap3A_365 = arith.constant 32 : index
        %swap3A_366 = tpu.vector_load %arg9[%swap3A_364, %swap3A_365] {strides = array<i32>} : memref<200x64xf32, #tpu.memory_space<vmem>>, vector<1x16xf32>,
        %swap3A_367 = vector.shape_cast %swap3A_366 : vector<1x16xf32> to vector<16xf32>
        %swap3A_368 = vector.shape_cast %mul3A_361 : vector<16xf32> to vector<1x16xf32>
        tpu.vector_store %arg9[%swap3A_364, %swap3A_365], %swap3A_368 {strides = array<i32>} : memref<200x64xf32, #tpu.memory_space<vmem>>, vector<1x16xf32>,
        %add3A_369 = arith.constant 3 : i32
        %add3A_370 = arith.addi %mul3A_130, %add3A_369 : i32
        %get3A_371 = arith.index_cast %add3A_370 : i32 to index
        %get3A_372 = arith.constant 48 : index
        %get3A_373 = tpu.vector_load %arg9[%get3A_371, %get3A_372] {strides = array<i32>} : memref<200x64xf32, #tpu.memory_space<vmem>>, vector<1x16xf32>,
        %get3A_374 = vector.shape_cast %get3A_373 : vector<1x16xf32> to vector<16xf32>
        %mul3A_375 = arith.constant 8.000000e+00 : f32
        %mul3A_376 = vector.broadcast %mul3A_375 : f32 to vector<16xf32>
        %mul3A_377 = arith.mulf %get3A_374, %mul3A_376 : vector<16xf32>
        %add3A_378 = arith.constant 3 : i32
        %add3A_379 = arith.addi %mul3A_130, %add3A_378 : i32
        %swap3A_380 = arith.index_cast %add3A_379 : i32 to index
        %swap3A_381 = arith.constant 48 : index
        %swap3A_382 = tpu.vector_load %arg9[%swap3A_380, %swap3A_381] {strides = array<i32>} : memref<200x64xf32, #tpu.memory_space<vmem>>, vector<1x16xf32>,
        %swap3A_383 = vector.shape_cast %swap3A_382 : vector<1x16xf32> to vector<16xf32>
        %swap3A_384 = vector.shape_cast %mul3A_377 : vector<16xf32> to vector<1x16xf32>
        tpu.vector_store %arg9[%swap3A_380, %swap3A_381], %swap3A_384 {strides = array<i32>} : memref<200x64xf32, #tpu.memory_space<vmem>>, vector<1x16xf32>,
      }
      %scan3A_119 = arith.constant 50 : i32
      %add3A_120 = arith.addi %mul3A_2, %add3A_107 : i32
      "tpu.region"() ({
        %run_scoped3A = tpu.sem_alloc : memref<!tpu.dma_semaphore, #tpu.memory_space<semaphore_mem>>
        %dma_start3A_128 = arith.constant 0 : i32
        %dma_start3A_129 = arith.constant 0 : i32
        %dma_start3A_130 = tpu.memref_slice %arg4[%add3A_120, %dma_start3A_128, %dma_start3A_129] : memref<4096x200x64xf32, #tpu.memory_space<hbm>> -> memref<1x200x64xf32, #tpu.memory_space<hbm>>
        %dma_start3A_131 = tpu.memref_squeeze %dma_start3A_130 : memref<1x200x64xf32, #tpu.memory_space<hbm>> -> memref<200x64xf32, #tpu.memory_space<hbm>>
        %dma_start3A_132 = arith.constant 0 : i32
        %dma_start3A_133 = arith.constant 0 : i32
        %dma_start3A_134 = tpu.memref_slice %arg4[%add3A_120, %dma_start3A_132, %dma_start3A_133] : memref<4096x200x64xf32, #tpu.memory_space<hbm>> -> memref<1x200x64xf32, #tpu.memory_space<hbm>>
        %dma_start3A_135 = tpu.memref_squeeze %dma_start3A_134 : memref<1x200x64xf32, #tpu.memory_space<hbm>> -> memref<200x64xf32, #tpu.memory_space<hbm>>
        tpu.enqueue_dma source(%arg9 : memref<200x64xf32, #tpu.memory_space<vmem>>) target(%dma_start3A_135 : memref<200x64xf32, #tpu.memory_space<hbm>>) target_semaphore(%run_scoped3A : memref<!tpu.dma_semaphore, #tpu.memory_space<semaphore_mem>>)
        %dma_wait3A_136 = arith.constant 0 : i32
        %dma_wait3A_137 = arith.constant 0 : i32
        %dma_wait3A_138 = tpu.memref_slice %arg4[%add3A_120, %dma_wait3A_136, %dma_wait3A_137] : memref<4096x200x64xf32, #tpu.memory_space<hbm>> -> memref<1x200x64xf32, #tpu.memory_space<hbm>>
        %dma_wait3A_139 = tpu.memref_squeeze %dma_wait3A_138 : memref<1x200x64xf32, #tpu.memory_space<hbm>> -> memref<200x64xf32, #tpu.memory_space<hbm>>
        %dma_wait3A_140 = arith.constant 0 : i32
        %dma_wait3A_141 = arith.constant 0 : i32
        %dma_wait3A_142 = tpu.memref_slice %arg4[%add3A_120, %dma_wait3A_140, %dma_wait3A_141] : memref<4096x200x64xf32, #tpu.memory_space<hbm>> -> memref<1x200x64xf32, #tpu.memory_space<hbm>>
        %dma_wait3A_143 = tpu.memref_squeeze %dma_wait3A_142 : memref<1x200x64xf32, #tpu.memory_space<hbm>> -> memref<200x64xf32, #tpu.memory_space<hbm>>
        tpu.wait_dma2 semaphore(%run_scoped3A : memref<!tpu.dma_semaphore, #tpu.memory_space<semaphore_mem>>) src(%arg9 : memref<200x64xf32, #tpu.memory_space<vmem>>) dst(%dma_wait3A_143 : memref<200x64xf32, #tpu.memory_space<hbm>>)
        tpu.yield
      }) : () -> ()
      %add3A_121 = arith.constant 4 : i32
      %add3A_122 = arith.addi %add3A_107, %add3A_121 : i32
      %lt3A_123 = arith.constant 128 : i32
      %lt3A_124 = arith.cmpi slt, %add3A_122, %lt3A_123 : i32
      %convert_element_type3A_125 = arith.extui %lt3A_124 : i1 to i32
      %cond3A_126 = arith.constant 0 : i32
      %cond3A_127 = arith.cmpi ne, %convert_element_type3A_125, %cond3A_126 : i32
      scf.if %cond3A_127 {
        %add3A_128 = arith.constant 4 : i32
        %add3A_129 = arith.addi %add3A_107, %add3A_128 : i32
        %dma_start3A_130 = arith.constant 0 : i32
        %dma_start3A_131 = tpu.memref_slice %arg5[%add3A_129, %dma_start3A_130] : memref<128x200xi32, #tpu.memory_space<vmem>> -> memref<1x200xi32, #tpu.memory_space<vmem>>
        %dma_start3A_132 = tpu.memref_squeeze %dma_start3A_131 : memref<1x200xi32, #tpu.memory_space<vmem>> -> memref<200xi32, #tpu.memory_space<vmem>>
        %dma_start3A_133 = arith.constant 0 : i32
        %dma_start3A_134 = arith.constant 0 : i32
        %dma_start3A_135 = tpu.memref_slice %arg3[%dma_start3A_133, %dma_start3A_134] : memref<1000000x64xf32, #tpu.memory_space<hbm>> -> memref<1000000x64xf32, #tpu.memory_space<hbm>>
        tpu.enqueue_indirect_dma source(%dma_start3A_135 : memref<1000000x64xf32, #tpu.memory_space<hbm>>) target(%arg9 : memref<200x64xf32, #tpu.memory_space<vmem>>) offsets(%dma_start3A_132 : memref<200xi32, #tpu.memory_space<vmem>>) semaphore(%arg13 : memref<!tpu.dma_semaphore, #tpu.memory_space<semaphore_mem>>)
      } else {
      }
    }
    %scan3A_34 = arith.constant 32 : i32
    return
  }
}

</mosaic_0001>

<sc_bundles>
// kernel: kernel.3.cloned.1.call-start
scs
__scs_entry_jumppad:
0x0: {  	(pc) =	sbr.rel $0x88, $3  }
0x1: {  	(tag) =	ssettag $0x0;
	lr =	simm.s32 $0x1  }
0x2: {  	[smem:$0x3F9F] =	sst lr;
	_ =	strace $0xD0000000  }
0x3: {  	_ = 	snop  }
0x4: {  	_ = 	snop  }
0x5: {  	_ = 	snop  }
0x6: {  	_ = 	snop  }
0x7: {  	_ = 	snop  }
__scs_overlays_trampoline_lowered:
0x8: {  	[smem:$0x3FAE] =	sst s0  }
0x9: {  	[smem:$0x3FAF] =	sst s1  }
0xa: {  	[smem:$0x3FB0] =	sst s2  }
0xb: {  	[smem:$0x3FB1] =	sst s3  }
0xc: {  	[smem:$0x3FB2] =	sst s4  }
0xd: {  	[smem:$0x3FB3] =	sst s5  }
0xe: {  	[smem:$0x3FB4] =	sst s6  }
0xf: {  	[smem:$0x3FB5] =	sst s7  }
0x10: {  	[smem:$0x3FB6] =	sst s8  }
0x11: {  	[smem:$0x3FB7] =	sst s9;
	s0 =	simm.s32 @!p0 $0x0  }
0x12: {  	s1 =	sld [smem:$0x3F9D];
	s0 =	simm.s32 @p0 $0x1  }
0x13: {  	[smem:$0x3FB8] =	sst s0;
	s0 =	simm.s32 @!p1 $0x0  }
0x14: {  	s2 =	sld [smem:$0x3F9C];
	s0 =	simm.s32 @p1 $0x1  }
0x15: {  	[smem:$0x3FB9] =	sst s0;
	s0 =	simm.s32 @!p2 $0x0  }
0x16: {  	s3 =	sld [smem:$0x3FDB];
	s0 =	simm.s32 @p2 $0x1  }
0x17: {  	s4 =	simm.s32 $0x1BF5;
	[smem:$0x3FBB] =	sst s0  }
0x18: {  	s0 =	sld [smem:$0x3F9E];
	_ =	swait.ge [sflag:s4], $0x0  }
0x19: {  	s7 =	sld [smem:$0x3F9F]  }
0x1a: {  	s8 =	sadd.s32 $0xFFFFE003, lr  }
0x1b: {  	s9 =	sadd.s32 $0xFFFFFEF7, lr;
	s5 =	simm.s32 $0xFFFFFFFF;
	p2 =	slt.u32 s8, $0xFFFFF086  }
0x1c: {  	p1 =	slt.u32 s9, $0xF7A;
	s5 =	simm.s32 @!p2 $0x0  }
0x1d: {  	s5 =	simm.s32 @p1 $0x1;
	p0 =	seq.s32 s7, s2  }
0x1e: {  	s7 =	smul.u32 @!p0 $0xF7A, s2;
	p2 =	seq.s32 @!p0 s5, $0x0  }
0x1f: {  	s9 =	smul.u32 $0xF7A, s1;
	s8 =	simm.s32 @!p0 $0x1BF5;
	p2 =	por !p2, p0  }
0x20: {  	[sflag:s8] =	ssyncset.s32 @!p0 $0xFFFFF086;
	s6 =	sadd.s32 @!p0 s3, s7;
	s7 =	simm.s32 @!p0 $0x108  }
0x21: {  	s3 =	sadd.s32 s3, s9;
	s6 =	sadd.s32 @!p0 $0x88, s6;
	s7 =	simm.s32 @p2 $0x1082  }
0x22: {  	[simem:s7], [sflag:s8] =	dma.local @!p0 [hbm:s6], $0xF7A  }
0x23: {  	s9 =	sor.u32 $0xD0000000, s2;
	s6 =	simm.s32 $0x108;
	_ =	swait.ge @!p0 [sflag:s8], $0x0  }
0x24: {  	s3 =	sadd.s32 $0x88, s3;
	s6 =	simm.s32 @!p1 $0x1082;
	[sflag:s4] =	ssyncset.s32 $0xFFFFF086  }
0x25: {  	[simem:s6], [sflag:s4] =	dma.local [hbm:s3], $0xF7A  }
0x26: {  	[smem:$0x3F9F] =	sst s1;
	(tag) =	ssettag s2;
	_ =	strace s9  }
0x27: {  	s1 =	sld [smem:$0x3FAF]  }
0x28: {  	s2 =	sld [smem:$0x3FB0]  }
0x29: {  	s4 =	sld [smem:$0x3FB2]  }
0x2a: {  	p0 =	seq.s32 s5, $0x0;
	s5 =	sld [smem:$0x3FB3]  }
0x2b: {  	s6 =	sld [smem:$0x3FB4]  }
0x2c: {  	s7 =	sld [smem:$0x3FB5]  }
0x2d: {  	s3 =	simm.s32 $0x108;
	s8 =	sld [smem:$0x3FB6]  }
0x2e: {  	s3 =	simm.s32 @!p0 $0x1082;
	s9 =	sld [smem:$0x3FB7]  }
0x2f: {  	lr =	sadd.s32 s0, s3;
	s0 =	sld [smem:$0x3FAE]  }
0x30: {  	s3 =	sld [smem:$0x3FB1]  }
0x31: {  	[smem:$0x3FBA] =	sst s10  }
0x32: {  	s10 =	sld [smem:$0x3FB8];
	_ =	sdelay $0x3  }
0x33: {  	p0 =	seq.s32 s10, $0x1;
	s10 =	sld [smem:$0x3FBA];
	_ =	sdelay $0x3  }
0x34: {  	[smem:$0x3FBA] =	sst s10  }
0x35: {  	s10 =	sld [smem:$0x3FB9];
	_ =	sdelay $0x3  }
0x36: {  	p1 =	seq.s32 s10, $0x1;
	s10 =	sld [smem:$0x3FBA];
	_ =	sdelay $0x3  }
0x37: {  	[smem:$0x3FBA] =	sst s10  }
0x38: {  	s10 =	sld [smem:$0x3FBB]  }
0x39: {  	_ = 	snop;
	(pc) =	sbr.ind lr, $3  }
0x3a: {  	_ = 	snop  }
0x3b: {  	_ = 	snop  }
0x3c: {  	p2 =	seq.s32 s10, $0x1;
	s10 =	sld [smem:$0x3FBA]  }
0x3d: {  	_ =	shalt  }
0x3e: {  	_ =	shalt  }
0x3f: {  	_ =	shalt  }
0x40: {  	_ =	shalt  }
0x41: {  	_ =	shalt  }
0x42: {  	_ =	shalt  }
0x43: {  	_ =	shalt  }
0x44: {  	_ =	shalt  }
0x45: {  	_ =	shalt  }
0x46: {  	_ =	shalt  }
0x47: {  	_ =	shalt  }
0x48: {  	_ =	shalt  }
0x49: {  	_ =	shalt  }
0x4a: {  	_ =	shalt  }
0x4b: {  	_ =	shalt  }
0x4c: {  	_ =	shalt  }
0x4d: {  	_ =	shalt  }
0x4e: {  	_ =	shalt  }
0x4f: {  	_ =	shalt  }
0x50: {  	_ =	shalt  }
0x51: {  	_ =	shalt  }
0x52: {  	_ =	shalt  }
0x53: {  	_ =	shalt  }
0x54: {  	_ =	shalt  }
0x55: {  	_ =	shalt  }
0x56: {  	_ =	shalt  }
0x57: {  	_ =	shalt  }
0x58: {  	_ =	shalt  }
0x59: {  	_ =	shalt  }
0x5a: {  	_ =	shalt  }
0x5b: {  	_ =	shalt  }
0x5c: {  	_ =	shalt  }
0x5d: {  	_ =	shalt  }
0x5e: {  	_ =	shalt  }
0x5f: {  	_ =	shalt  }
0x60: {  	_ =	shalt  }
0x61: {  	_ =	shalt  }
0x62: {  	_ =	shalt  }
0x63: {  	_ =	shalt  }
0x64: {  	_ =	shalt  }
0x65: {  	_ =	shalt  }
0x66: {  	_ =	shalt  }
0x67: {  	_ =	shalt  }
0x68: {  	_ =	shalt  }
0x69: {  	_ =	shalt  }
0x6a: {  	_ =	shalt  }
0x6b: {  	_ =	shalt  }
0x6c: {  	_ =	shalt  }
0x6d: {  	_ =	shalt  }
0x6e: {  	_ =	shalt  }
0x6f: {  	_ =	shalt  }
0x70: {  	_ =	shalt  }
0x71: {  	_ =	shalt  }
0x72: {  	_ =	shalt  }
0x73: {  	_ =	shalt  }
0x74: {  	_ =	shalt  }
0x75: {  	_ =	shalt  }
0x76: {  	_ =	shalt  }
0x77: {  	_ =	shalt  }
0x78: {  	_ =	shalt  }
0x79: {  	_ =	shalt  }
0x7a: {  	_ =	shalt  }
0x7b: {  	_ =	shalt  }
0x7c: {  	_ =	shalt  }
0x7d: {  	_ =	shalt  }
0x7e: {  	_ =	shalt  }
0x7f: {  	_ =	shalt  }
0x80: {  	_ =	shalt  }
0x81: {  	_ =	shalt  }
0x82: {  	_ =	shalt  }
0x83: {  	_ =	shalt  }
0x84: {  	_ =	shalt  }
0x85: {  	_ =	shalt  }
0x86: {  	_ =	shalt  }
0x87: {  	_ =	shalt  }
.Lfunc_end0:
.L_simem_size_0:
called_computation.1_lowered:
.L_overlay_start_0:
0x88: {  	s2 =	sld [smem:$0x3FD9]  }
0x89: {  	s3 =	sld [smem:$0x3FFE];
	_ =	sdelay $0x1  }
0x8a: {  	s1 =	srdreg.scid  }
0x8b: {  	s0 =	sand.u32 $0x1, s1  }
0x8c: {  	s17 =	sshll.u32 s0, $0xA;
	s2 =	sadd.s32 s3, s2  }
0x8d: {  	s2 =	sadd.s32 s2, s17  }
0x8e: {  	[smem:$0x3FC6] =	sst s2  }
0x8f: {  	_ = 	snop  }
0x90: {  	s2 =	sld [smem:$0x3FD0];
	(tm) =	ssettm $0x1  }
0x91: {  	s18 =	sld [smem:$0x3FFB];
	_ =	sdelay $0x3  }
0x92: {  	_ =	strace s18  }
0x93: {  	s3 =	sld [smem:$0x3FFC];
	_ =	sdelay $0x3  }
0x94: {  	_ =	strace s3  }
0x95: {  	s3 =	sld [smem:$0x3FFD];
	_ =	sdelay $0x3  }
0x96: {  	_ =	strace s3  }
0x97: {  	_ =	strace $0x8FFFFFFF  }
0x98: {  	s19 =	sld [smem:$0x3FDB];
	_ =	sdelay $0x1  }
0x99: {  	s4 =	simm.s32 $_scs_section_size  }
0x9a: {  	s5 =	simm.s32 $_size__tile_overlayer_lowered;
	s6 =	simm.s32 $_tile_overlayer_lowered  }
0x9b: {  	s22 =	simm.s32 $0x1BFF;
	s21 =	sshll.u32 s6, $0x1;
	s3 =	sadd.s32 s4, s19  }
0x9c: {  	s7 =	simm.s32 $0x0;
	s20 =	sshll.u32 s5, $0x1;
	s5 =	sadd.s32 s21, s3  }
0x9d: {  	[timem:s7], [sflag:s22] =	dma.local [hbm:s5], s20  }
0x9e: {  	_ =	swait.ge [sflag:s22], s20  }
0x9f: {  	s4 =	ssub.s32 $0x0, s20;
	[sflag:s22] =	ssyncset.done $0x0  }
0xa0: {  	[sflag:s22] =	ssyncadd.s32 s4;
	_ =	sdelay $0x1  }
0xa1: {  	s23 =	simm.s32 $0x1B8B  }
0xa2: {  	_ =	swait.ge [sflag:s23], $0x1  }
0xa3: {  	[sflag:s23] =	ssyncset.done $0x0  }
0xa4: {  	s25 =	simm.s32 $0x1B8E;
	s24 =	sld [smem:$0x3FFE];
	[sflag:s23] =	ssyncadd.s32 $0xFFFFFFFF  }
0xa5: {  	s26 =	simm.s32 $execute0_lowered;
	[smem:$0x3FD2] =	sst s25  }
0xa6: {  	s5 =	sshll.u32 s26, $0x1;
	_ =	strace $0x80000046;
	[dreg:$0x1] =	wrdreg $0xFFFFFFFF  }
0xa7: {  	s28 =	simm.s32 $_size_execute0_lowered;
	s3 =	sadd.s32 s3, s5;
	[dreg:$0x0] =	wrdreg $0x0  }
0xa8: {  	s5 =	sshll.u32 s28, $0x1;
	[dreg:$0x2] =	wrdreg s3  }
0xa9: {  	[dreg:$0x3] =	wrdreg s5  }
0xaa: {  	[dreg:$0x4] =	wrdreg $0xC0  }
0xab: {  	_ =	task [dreg:s7], $0x5FFFF  }
0xac: {  	[dreg:$0x1] =	wrdreg $0xFFFFFFFF  }
0xad: {  	[dreg:$0x0] =	wrdreg $0x60  }
0xae: {  	[dreg:$0x2] =	wrdreg s24  }
0xaf: {  	[dreg:$0x3] =	wrdreg s2  }
0xb0: {  	[dreg:$0x4] =	wrdreg $0x9  }
0xb1: {  	_ =	task.clear_ibuf [dreg:s7], $0x5FFFF;
	_ =	strace $0x90000046  }
0xb2: {  	s29 =	simm.s32 $0x9;
	_ =	strace $0x80000048  }
0xb3: {  	_ =	swait.ge [sflag:s29], $0x1  }
0xb4: {  	[sflag:s29] =	ssyncadd.s32 $0xFFFFFFFF  }
0xb5: {  	_ =	strace $0x90000048  }
0xb6: {  	_ =	sfence  }
0xb7: {  	s30 =	sld [smem:$0x0];
	_ =	sdelay $0x2  }
0xb8: {  	s31 =	sshll.u32 s1, $0xD;
	s1 =	sshrl.u32 s1, $0x2  }
0xb9: {  	s3 =	sand.u32 $0x4000, s31;
	s1 =	sadd.s32 s1, s30  }
0xba: {  	s0 =	sor.u32 s3, s0;
	s1 =	sshll.u32 s1, $0x11  }
0xbb: {  	s0 =	sor.u32 s1, s0  }
0xbc: {  	s0 =	sadd.s32 $0x8F2B, s0  }
0xbd: {  	[sflag:s0] =	ssyncadd.remote.s32 $0x1  }
0xbe: {  	_ =	sfence.sel $0xFFFF  }
0xbf: {  	[dreg:$0x0] =	wrdreg $0xFFFFFFFF;
	(pc) =	sbr.abs _section_cstart, $3  }
0xc0: {  	[dreg:$0x1] =	wrdreg $0xFFFFFFFF  }
0xc1: {  	_ =	task.clear_ibuf [dreg:s7], $0x2FFFF;
	_ =	strace $0x9FFFFFFF  }
0xc2: {  	(tm) =	ssettm $0x7FFFFFFF  }
0xc3: {  	_ =	shalt  }
tec
execute0_lowered:
.L_overlay_start_1:
0x0: {  	(tag) =	ssettag $0x1  }
0x1: {  	s1 =	srdreg.scid;
	s5 =	rddreg [dreg:$0x0]  }
0x2: {  	s0 =	stileid.u32;
	s2 =	rddreg [dreg:$0x1]  }
0x3: {  	s3 =	simm.s32 $0x0;
	s9 =	simm.s32 $0xC8;
	s10 =	simm.s32 $0x6400  }
0x4: {  	s11 =	simm.s32 $0x9600;
	s12 =	simm.s32 $0x190;
	s13 =	simm.s32 $0xC800  }
0x5: {  	s14 =	simm.s32 $0x258;
	s15 =	simm.s32 $0xFA00;
	s16 =	simm.s32 $0x1  }
0x6: {  	s17 =	simm.s32 $0x2;
	s18 =	simm.s32 $0x3;
	s6 =	sand.u32 $0x1, s1  }
0x7: {  	s19 =	simm.s32 $0x4;
	s4 =	sshll.u32 s0, $0x8;
	s7 =	sshll.u32 s6, $0x7  }
.Ltmp0:
0x8: {  	s20 =	simm.s32 $0x0;
	s4 =	sor.u32 s7, s4;
	(pc) =	sbr.rel .LBB2_1-.Ltmp0, $4  }
0x9: {  	[smem:$0x7FF] =	sst s3;
	s6 =	ssub.s32 $0x2, s6;
	s7 =	smul.u32 $0x19, s4  }
0xa: {  	s1 =	rddreg [dreg:$0x2];
	_ =	strace $0x80000047;
	s8 =	sshrl.u32 s6, $0x1  }
0xb: {  	s8 =	ssub.s32 s6, s8;
	s7 =	sadd.s32 s7, s5;
	s5 =	sadd.s32 $0xF42E00, s5  }
0xc: {  	s6 =	sadd.s32 $0xA00, s7;
	s7 =	smax.u32 s8, $0x1;
	s8 =	simm.s32 $0x5  }
.LBB2_12:
0xd: {  	s20 =	sadd.s32 $0x1, s20  }
0xe: {  	p0 =	sne.s32 s20, s7  }
.Ltmp1:
0xf: {  	_ = 	snop;
	(pc) =	sbr.rel @!p0 .LBB2_13-.Ltmp1, $1  }
0x10: {  	_ =	sdelay $0x3  }
.LBB2_1:
0x11: {  	[tilespmem:s3], [sflag:$0x5] =	stream.linear.gather [hbm4b:s6+s3], $0x6400, $0x38;
	[tilespmem:$0x12C00] =	vst v63  }
0x12: {  	_ =	swait.ge [sflag:s8], $0x6400  }
0x13: {  	[sflag:s8] =	ssyncset.done $0x0  }
0x14: {  	[sflag:s8] =	ssyncadd.s32 $0xFFFF9C00  }
0x15: {  	[tilespmem:s10], [sflag:$0x1] =	stream.indirect.gather [hbm4b:s5+s9], $0x40, s3, s9, $0xb8;
	[tilespmem:$0x12C00] =	vst v63  }
0x16: {  	_ = 	snop  }
0x17: {  	[tilespmem:s11], [sflag:$0x2] =	stream.indirect.gather [hbm4b:s5+s9], $0x40, s9, s9, $0xb8;
	[tilespmem:$0x12C00] =	vst v63  }
0x18: {  	_ = 	snop  }
0x19: {  	[tilespmem:s13], [sflag:$0x3] =	stream.indirect.gather [hbm4b:s5+s9], $0x40, s12, s9, $0xb8;
	[tilespmem:$0x12C00] =	vst v63  }
0x1a: {  	s21 =	simm.s32 $0x0  }
0x1b: {  	[tilespmem:s15], [sflag:$0x4] =	stream.indirect.gather [hbm4b:s5+s9], $0x40, s14, s9, $0xb8;
	[tilespmem:$0x12C00] =	vst v63  }
.LBB2_2:
0x1c: {  	_ =	swait.ge [sflag:s16], $0x3200  }
0x1d: {  	[sflag:s16] =	ssyncset.done $0x0  }
0x1e: {  	s22 =	simm.s32 $0x0;
	[sflag:s16] =	ssyncadd.s32 $0xFFFFCE00  }
0x1f: {  	v0 =	vld [tilespmem:s22+$0x6400]  }
0x20: {  	v1 =	vld [tilespmem:s22+$0x6410]  }
0x21: {  	v2 =	vld [tilespmem:s22+$0x6420]  }
0x22: {  	v3 =	vld [tilespmem:s22+$0x6430]  }
0x23: {  	v4 =	vld [tilespmem:s22+$0x6440]  }
0x24: {  	v5 =	vld [tilespmem:s22+$0x6450];
	v0 =	vmul.f32 $8.000000000e+00, v0  }
0x25: {  	v6 =	vld [tilespmem:s22+$0x6460];
	v1 =	vmul.f32 $8.000000000e+00, v1  }
0x26: {  	v7 =	vld [tilespmem:s22+$0x6470];
	[tilespmem:s22+$0x6400] =	vst v0;
	v0 =	vmul.f32 $8.000000000e+00, v2  }
0x27: {  	v8 =	vld [tilespmem:s22+$0x6480];
	[tilespmem:s22+$0x6410] =	vst v1;
	v1 =	vmul.f32 $8.000000000e+00, v3  }
0x28: {  	v9 =	vld [tilespmem:s22+$0x6490];
	[tilespmem:s22+$0x6420] =	vst v0;
	v0 =	vmul.f32 $8.000000000e+00, v4  }
0x29: {  	v2 =	vmul.f32 $8.000000000e+00, v5;
	[tilespmem:s22+$0x6430] =	vst v1;
	v1 =	vld [tilespmem:s22+$0x64A0]  }
0x2a: {  	v3 =	vmul.f32 $8.000000000e+00, v6;
	[tilespmem:s22+$0x6440] =	vst v0;
	v0 =	vld [tilespmem:s22+$0x64B0]  }
0x2b: {  	[tilespmem:s22+$0x6450] =	vst v2;
	v2 =	vld [tilespmem:s22+$0x64C0];
	v4 =	vmul.f32 $8.000000000e+00, v7  }
0x2c: {  	v6 =	vmul.f32 $8.000000000e+00, v8;
	[tilespmem:s22+$0x6460] =	vst v3;
	v3 =	vld [tilespmem:s22+$0x64D0]  }
0x2d: {  	s23 =	simm.s32 $0x400;
	v5 =	vmul.f32 $8.000000000e+00, v9;
	[tilespmem:s22+$0x6470] =	vst v4;
	v4 =	vld [tilespmem:s22+$0x64E0]  }
.LBB2_3:
0x2e: {  	s24 =	sshra.s32 s23, $0x2;
	p0 =	sne.s32 s23, $0xC400;
	[tilespmem:s22+$0x6480] =	vst v6;
	v1 =	vmul.f32 $8.000000000e+00, v1;
	v6 =	vld [tilespmem:s22+$0x64F0]  }
0x2f: {  	v7 =	vld [tilespmem:s24+$0x6400];
	[tilespmem:s22+$0x6490] =	vst v5;
	v0 =	vmul.f32 $8.000000000e+00, v0  }
0x30: {  	v5 =	vld [tilespmem:s24+$0x6410];
	[tilespmem:s22+$0x64A0] =	vst v1;
	v1 =	vmul.f32 $8.000000000e+00, v2  }
0x31: {  	v2 =	vld [tilespmem:s24+$0x6420];
	[tilespmem:s22+$0x64B0] =	vst v0;
	v0 =	vmul.f32 $8.000000000e+00, v3  }
0x32: {  	v3 =	vld [tilespmem:s24+$0x6430];
	[tilespmem:s22+$0x64C0] =	vst v1;
	v1 =	vmul.f32 $8.000000000e+00, v4  }
0x33: {  	v4 =	vld [tilespmem:s24+$0x6440];
	[tilespmem:s22+$0x64D0] =	vst v0;
	v0 =	vmul.f32 $8.000000000e+00, v6  }
0x34: {  	v6 =	vmul.f32 $8.000000000e+00, v7;
	v7 =	vld [tilespmem:s24+$0x6450];
	[tilespmem:s22+$0x64E0] =	vst v1  }
0x35: {  	v1 =	vmul.f32 $8.000000000e+00, v5;
	v5 =	vld [tilespmem:s24+$0x6460];
	[tilespmem:s22+$0x64F0] =	vst v0;
	s22 =	smov.u32 s24  }
0x36: {  	[tilespmem:s22+$0x6400] =	vst v6;
	v0 =	vmul.f32 $8.000000000e+00, v2;
	v2 =	vld [tilespmem:s22+$0x6470]  }
0x37: {  	[tilespmem:s22+$0x6410] =	vst v1;
	v1 =	vmul.f32 $8.000000000e+00, v3;
	v3 =	vld [tilespmem:s22+$0x6480]  }
0x38: {  	[tilespmem:s22+$0x6420] =	vst v0;
	v0 =	vmul.f32 $8.000000000e+00, v4;
	v4 =	vld [tilespmem:s22+$0x6490]  }
.Ltmp2:
0x39: {  	[tilespmem:s22+$0x6430] =	vst v1;
	v6 =	vmul.f32 $8.000000000e+00, v7;
	v1 =	vld [tilespmem:s22+$0x64A0];
	(pc) =	sbr.rel @p0 .LBB2_3-.Ltmp2, $4  }
0x3a: {  	[tilespmem:s22+$0x6440] =	vst v0;
	v5 =	vmul.f32 $8.000000000e+00, v5;
	v0 =	vld [tilespmem:s22+$0x64B0]  }
0x3b: {  	[tilespmem:s22+$0x6450] =	vst v6;
	v7 =	vmul.f32 $8.000000000e+00, v2;
	v2 =	vld [tilespmem:s22+$0x64C0]  }
0x3c: {  	[tilespmem:s22+$0x6460] =	vst v5;
	v6 =	vmul.f32 $8.000000000e+00, v3;
	v3 =	vld [tilespmem:s22+$0x64D0]  }
0x3d: {  	s23 =	sadd.s32 $0x400, s23;
	[tilespmem:s22+$0x6470] =	vst v7;
	v5 =	vmul.f32 $8.000000000e+00, v4;
	v4 =	vld [tilespmem:s22+$0x64E0]  }
0x3e: {  	[tilespmem:s22+$0x6480] =	vst v6;
	v1 =	vmul.f32 $8.000000000e+00, v1;
	v6 =	vld [tilespmem:s22+$0x64F0]  }
0x3f: {  	[tilespmem:s22+$0x6490] =	vst v5;
	v0 =	vmul.f32 $8.000000000e+00, v0  }
0x40: {  	[tilespmem:s22+$0x64A0] =	vst v1;
	v1 =	vmul.f32 $8.000000000e+00, v2  }
0x41: {  	s23 =	sshll.u32 s21, $0x2;
	[tilespmem:s22+$0x64B0] =	vst v0;
	v0 =	vmul.f32 $8.000000000e+00, v3  }
0x42: {  	s24 =	sadd.s32 s4, s23;
	[tilespmem:s22+$0x64C0] =	vst v1;
	v1 =	vmul.f32 $8.000000000e+00, v4  }
0x43: {  	s24 =	smul.u32 $0x640, s24;
	[tilespmem:s22+$0x64D0] =	vst v0;
	v0 =	vmul.f32 $8.000000000e+00, v6  }
0x44: {  	p0 =	seq.s32 s21, $0x1F;
	[tilespmem:s22+$0x64E0] =	vst v1  }
0x45: {  	s31 =	sadd.s32 s2, s24;
	[tilespmem:s22+$0x64F0] =	vst v0;
	s22 =	smul.u32 @!p0 $0xC80, s21  }
0x46: {  	[hbm4b:s31+s3] =	stream.linear.scatter [tilespmem:s10], [sflag:$0x5], $0x3200, $0x38;
	[tilespmem:$0x12C00] =	vst v63  }
0x47: {  	_ =	swait.ge [sflag:s8], $0x3200  }
0x48: {  	s25 =	simm.s32 @!p0 $0xC8;
	s22 =	sshra.s32 @!p0 s22, $0x2;
	[sflag:s8] =	ssyncset.done $0x0  }
0x49: {  	s26 =	simm.s32 @!p0 $0x6400;
	s24 =	sadd.s32 @!p0 $0x320, s22;
	[sflag:s8] =	ssyncadd.s32 $0xFFFFCE00  }
0x4a: {  	[tilespmem:s26], [sflag:$0x1] =	stream.indirect.gather @!p0 [hbm4b:s5+s25], $0x40, s24, s25, $0xb8;
	[tilespmem:$0x12C00] =	vst v63  }
0x4b: {  	_ =	swait.ge [sflag:s17], $0x3200  }
0x4c: {  	[sflag:s17] =	ssyncset.done $0x0  }
0x4d: {  	s24 =	simm.s32 $0x0;
	[sflag:s17] =	ssyncadd.s32 $0xFFFFCE00  }
0x4e: {  	v0 =	vld [tilespmem:s24+$0x9600]  }
0x4f: {  	v1 =	vld [tilespmem:s24+$0x9610]  }
0x50: {  	v2 =	vld [tilespmem:s24+$0x9620]  }
0x51: {  	v3 =	vld [tilespmem:s24+$0x9630]  }
0x52: {  	v4 =	vld [tilespmem:s24+$0x9640]  }
0x53: {  	v5 =	vld [tilespmem:s24+$0x9650];
	v0 =	vmul.f32 $8.000000000e+00, v0  }
0x54: {  	v6 =	vld [tilespmem:s24+$0x9660];
	v1 =	vmul.f32 $8.000000000e+00, v1  }
0x55: {  	v7 =	vld [tilespmem:s24+$0x9670];
	[tilespmem:s24+$0x9600] =	vst v0;
	v0 =	vmul.f32 $8.000000000e+00, v2  }
0x56: {  	v8 =	vld [tilespmem:s24+$0x9680];
	[tilespmem:s24+$0x9610] =	vst v1;
	v1 =	vmul.f32 $8.000000000e+00, v3  }
0x57: {  	v9 =	vld [tilespmem:s24+$0x9690];
	[tilespmem:s24+$0x9620] =	vst v0;
	v0 =	vmul.f32 $8.000000000e+00, v4  }
0x58: {  	v2 =	vmul.f32 $8.000000000e+00, v5;
	[tilespmem:s24+$0x9630] =	vst v1;
	v1 =	vld [tilespmem:s24+$0x96A0]  }
0x59: {  	v3 =	vmul.f32 $8.000000000e+00, v6;
	[tilespmem:s24+$0x9640] =	vst v0;
	v0 =	vld [tilespmem:s24+$0x96B0]  }
0x5a: {  	[tilespmem:s24+$0x9650] =	vst v2;
	v2 =	vld [tilespmem:s24+$0x96C0];
	v4 =	vmul.f32 $8.000000000e+00, v7  }
0x5b: {  	v6 =	vmul.f32 $8.000000000e+00, v8;
	[tilespmem:s24+$0x9660] =	vst v3;
	v3 =	vld [tilespmem:s24+$0x96D0]  }
0x5c: {  	s25 =	simm.s32 $0x400;
	v5 =	vmul.f32 $8.000000000e+00, v9;
	[tilespmem:s24+$0x9670] =	vst v4;
	v4 =	vld [tilespmem:s24+$0x96E0]  }
.LBB2_5:
0x5d: {  	s26 =	sshra.s32 s25, $0x2;
	p1 =	sne.s32 s25, $0xC400;
	[tilespmem:s24+$0x9680] =	vst v6;
	v1 =	vmul.f32 $8.000000000e+00, v1;
	v6 =	vld [tilespmem:s24+$0x96F0]  }
0x5e: {  	v7 =	vld [tilespmem:s26+$0x9600];
	[tilespmem:s24+$0x9690] =	vst v5;
	v0 =	vmul.f32 $8.000000000e+00, v0  }
0x5f: {  	v5 =	vld [tilespmem:s26+$0x9610];
	[tilespmem:s24+$0x96A0] =	vst v1;
	v1 =	vmul.f32 $8.000000000e+00, v2  }
0x60: {  	v2 =	vld [tilespmem:s26+$0x9620];
	[tilespmem:s24+$0x96B0] =	vst v0;
	v0 =	vmul.f32 $8.000000000e+00, v3  }
0x61: {  	v3 =	vld [tilespmem:s26+$0x9630];
	[tilespmem:s24+$0x96C0] =	vst v1;
	v1 =	vmul.f32 $8.000000000e+00, v4  }
0x62: {  	v4 =	vld [tilespmem:s26+$0x9640];
	[tilespmem:s24+$0x96D0] =	vst v0;
	v0 =	vmul.f32 $8.000000000e+00, v6  }
0x63: {  	v6 =	vmul.f32 $8.000000000e+00, v7;
	v7 =	vld [tilespmem:s26+$0x9650];
	[tilespmem:s24+$0x96E0] =	vst v1  }
0x64: {  	v1 =	vmul.f32 $8.000000000e+00, v5;
	v5 =	vld [tilespmem:s26+$0x9660];
	[tilespmem:s24+$0x96F0] =	vst v0;
	s24 =	smov.u32 s26  }
0x65: {  	[tilespmem:s24+$0x9600] =	vst v6;
	v0 =	vmul.f32 $8.000000000e+00, v2;
	v2 =	vld [tilespmem:s24+$0x9670]  }
0x66: {  	[tilespmem:s24+$0x9610] =	vst v1;
	v1 =	vmul.f32 $8.000000000e+00, v3;
	v3 =	vld [tilespmem:s24+$0x9680]  }
0x67: {  	[tilespmem:s24+$0x9620] =	vst v0;
	v0 =	vmul.f32 $8.000000000e+00, v4;
	v4 =	vld [tilespmem:s24+$0x9690]  }
.Ltmp3:
0x68: {  	[tilespmem:s24+$0x9630] =	vst v1;
	v6 =	vmul.f32 $8.000000000e+00, v7;
	v1 =	vld [tilespmem:s24+$0x96A0];
	(pc) =	sbr.rel @p1 .LBB2_5-.Ltmp3, $4  }
0x69: {  	[tilespmem:s24+$0x9640] =	vst v0;
	v5 =	vmul.f32 $8.000000000e+00, v5;
	v0 =	vld [tilespmem:s24+$0x96B0]  }
0x6a: {  	[tilespmem:s24+$0x9650] =	vst v6;
	v7 =	vmul.f32 $8.000000000e+00, v2;
	v2 =	vld [tilespmem:s24+$0x96C0]  }
0x6b: {  	[tilespmem:s24+$0x9660] =	vst v5;
	v6 =	vmul.f32 $8.000000000e+00, v3;
	v3 =	vld [tilespmem:s24+$0x96D0]  }
0x6c: {  	s25 =	sadd.s32 $0x400, s25;
	[tilespmem:s24+$0x9670] =	vst v7;
	v5 =	vmul.f32 $8.000000000e+00, v4;
	v4 =	vld [tilespmem:s24+$0x96E0]  }
0x6d: {  	[tilespmem:s24+$0x9680] =	vst v6;
	v1 =	vmul.f32 $8.000000000e+00, v1;
	v6 =	vld [tilespmem:s24+$0x96F0]  }
0x6e: {  	[tilespmem:s24+$0x9690] =	vst v5;
	v0 =	vmul.f32 $8.000000000e+00, v0  }
0x6f: {  	[tilespmem:s24+$0x96A0] =	vst v1;
	v1 =	vmul.f32 $8.000000000e+00, v2  }
0x70: {  	s23 =	sadd.s32 s23, s4;
	[tilespmem:s24+$0x96B0] =	vst v0;
	v0 =	vmul.f32 $8.000000000e+00, v3  }
0x71: {  	s23 =	smul.u32 $0x640, s23;
	[tilespmem:s24+$0x96C0] =	vst v1;
	v1 =	vmul.f32 $8.000000000e+00, v4  }
0x72: {  	[tilespmem:s24+$0x96D0] =	vst v0;
	v0 =	vmul.f32 $8.000000000e+00, v6  }
0x73: {  	s23 =	sadd.s32 s2, s23;
	[tilespmem:s24+$0x96E0] =	vst v1  }
0x74: {  	s31 =	sadd.s32 $0x640, s23;
	[tilespmem:s24+$0x96F0] =	vst v0  }
0x75: {  	[hbm4b:s31+s3] =	stream.linear.scatter [tilespmem:s11], [sflag:$0x5], $0x3200, $0x38;
	[tilespmem:$0x12C00] =	vst v63  }
0x76: {  	_ =	swait.ge [sflag:s8], $0x3200  }
0x77: {  	s25 =	simm.s32 @!p0 $0xC8;
	[sflag:s8] =	ssyncset.done $0x0  }
0x78: {  	s26 =	simm.s32 @!p0 $0x9600;
	s24 =	sadd.s32 @!p0 $0x3E8, s22;
	[sflag:s8] =	ssyncadd.s32 $0xFFFFCE00  }
0x79: {  	[tilespmem:s26], [sflag:$0x2] =	stream.indirect.gather @!p0 [hbm4b:s5+s25], $0x40, s24, s25, $0xb8;
	[tilespmem:$0x12C00] =	vst v63  }
0x7a: {  	_ =	swait.ge [sflag:s18], $0x3200  }
0x7b: {  	[sflag:s18] =	ssyncset.done $0x0  }
0x7c: {  	s24 =	simm.s32 $0x0;
	[sflag:s18] =	ssyncadd.s32 $0xFFFFCE00  }
0x7d: {  	v0 =	vld [tilespmem:s24+$0xC800]  }
0x7e: {  	v1 =	vld [tilespmem:s24+$0xC810]  }
0x7f: {  	v2 =	vld [tilespmem:s24+$0xC820]  }
0x80: {  	v3 =	vld [tilespmem:s24+$0xC830]  }
0x81: {  	v4 =	vld [tilespmem:s24+$0xC840]  }
0x82: {  	v5 =	vld [tilespmem:s24+$0xC850];
	v0 =	vmul.f32 $8.000000000e+00, v0  }
0x83: {  	v6 =	vld [tilespmem:s24+$0xC860];
	v1 =	vmul.f32 $8.000000000e+00, v1  }
0x84: {  	v7 =	vld [tilespmem:s24+$0xC870];
	[tilespmem:s24+$0xC800] =	vst v0;
	v0 =	vmul.f32 $8.000000000e+00, v2  }
0x85: {  	v8 =	vld [tilespmem:s24+$0xC880];
	[tilespmem:s24+$0xC810] =	vst v1;
	v1 =	vmul.f32 $8.000000000e+00, v3  }
0x86: {  	v9 =	vld [tilespmem:s24+$0xC890];
	[tilespmem:s24+$0xC820] =	vst v0;
	v0 =	vmul.f32 $8.000000000e+00, v4  }
0x87: {  	v2 =	vmul.f32 $8.000000000e+00, v5;
	[tilespmem:s24+$0xC830] =	vst v1;
	v1 =	vld [tilespmem:s24+$0xC8A0]  }
0x88: {  	v3 =	vmul.f32 $8.000000000e+00, v6;
	[tilespmem:s24+$0xC840] =	vst v0;
	v0 =	vld [tilespmem:s24+$0xC8B0]  }
0x89: {  	[tilespmem:s24+$0xC850] =	vst v2;
	v2 =	vld [tilespmem:s24+$0xC8C0];
	v4 =	vmul.f32 $8.000000000e+00, v7  }
0x8a: {  	v6 =	vmul.f32 $8.000000000e+00, v8;
	[tilespmem:s24+$0xC860] =	vst v3;
	v3 =	vld [tilespmem:s24+$0xC8D0]  }
0x8b: {  	s25 =	simm.s32 $0x400;
	v5 =	vmul.f32 $8.000000000e+00, v9;
	[tilespmem:s24+$0xC870] =	vst v4;
	v4 =	vld [tilespmem:s24+$0xC8E0]  }
.LBB2_7:
0x8c: {  	s26 =	sshra.s32 s25, $0x2;
	p1 =	sne.s32 s25, $0xC400;
	[tilespmem:s24+$0xC880] =	vst v6;
	v1 =	vmul.f32 $8.000000000e+00, v1;
	v6 =	vld [tilespmem:s24+$0xC8F0]  }
0x8d: {  	v7 =	vld [tilespmem:s26+$0xC800];
	[tilespmem:s24+$0xC890] =	vst v5;
	v0 =	vmul.f32 $8.000000000e+00, v0  }
0x8e: {  	v5 =	vld [tilespmem:s26+$0xC810];
	[tilespmem:s24+$0xC8A0] =	vst v1;
	v1 =	vmul.f32 $8.000000000e+00, v2  }
0x8f: {  	v2 =	vld [tilespmem:s26+$0xC820];
	[tilespmem:s24+$0xC8B0] =	vst v0;
	v0 =	vmul.f32 $8.000000000e+00, v3  }
0x90: {  	v3 =	vld [tilespmem:s26+$0xC830];
	[tilespmem:s24+$0xC8C0] =	vst v1;
	v1 =	vmul.f32 $8.000000000e+00, v4  }
0x91: {  	v4 =	vld [tilespmem:s26+$0xC840];
	[tilespmem:s24+$0xC8D0] =	vst v0;
	v0 =	vmul.f32 $8.000000000e+00, v6  }
0x92: {  	v6 =	vmul.f32 $8.000000000e+00, v7;
	v7 =	vld [tilespmem:s26+$0xC850];
	[tilespmem:s24+$0xC8E0] =	vst v1  }
0x93: {  	v1 =	vmul.f32 $8.000000000e+00, v5;
	v5 =	vld [tilespmem:s26+$0xC860];
	[tilespmem:s24+$0xC8F0] =	vst v0;
	s24 =	smov.u32 s26  }
0x94: {  	[tilespmem:s24+$0xC800] =	vst v6;
	v0 =	vmul.f32 $8.000000000e+00, v2;
	v2 =	vld [tilespmem:s24+$0xC870]  }
0x95: {  	[tilespmem:s24+$0xC810] =	vst v1;
	v1 =	vmul.f32 $8.000000000e+00, v3;
	v3 =	vld [tilespmem:s24+$0xC880]  }
0x96: {  	[tilespmem:s24+$0xC820] =	vst v0;
	v0 =	vmul.f32 $8.000000000e+00, v4;
	v4 =	vld [tilespmem:s24+$0xC890]  }
.Ltmp4:
0x97: {  	[tilespmem:s24+$0xC830] =	vst v1;
	v6 =	vmul.f32 $8.000000000e+00, v7;
	v1 =	vld [tilespmem:s24+$0xC8A0];
	(pc) =	sbr.rel @p1 .LBB2_7-.Ltmp4, $4  }
0x98: {  	[tilespmem:s24+$0xC840] =	vst v0;
	v5 =	vmul.f32 $8.000000000e+00, v5;
	v0 =	vld [tilespmem:s24+$0xC8B0]  }
0x99: {  	[tilespmem:s24+$0xC850] =	vst v6;
	v7 =	vmul.f32 $8.000000000e+00, v2;
	v2 =	vld [tilespmem:s24+$0xC8C0]  }
0x9a: {  	[tilespmem:s24+$0xC860] =	vst v5;
	v6 =	vmul.f32 $8.000000000e+00, v3;
	v3 =	vld [tilespmem:s24+$0xC8D0]  }
0x9b: {  	s25 =	sadd.s32 $0x400, s25;
	[tilespmem:s24+$0xC870] =	vst v7;
	v5 =	vmul.f32 $8.000000000e+00, v4;
	v4 =	vld [tilespmem:s24+$0xC8E0]  }
0x9c: {  	[tilespmem:s24+$0xC880] =	vst v6;
	v1 =	vmul.f32 $8.000000000e+00, v1;
	v6 =	vld [tilespmem:s24+$0xC8F0]  }
0x9d: {  	[tilespmem:s24+$0xC890] =	vst v5;
	v0 =	vmul.f32 $8.000000000e+00, v0  }
0x9e: {  	[tilespmem:s24+$0xC8A0] =	vst v1;
	v1 =	vmul.f32 $8.000000000e+00, v2  }
0x9f: {  	[tilespmem:s24+$0xC8B0] =	vst v0;
	v0 =	vmul.f32 $8.000000000e+00, v3  }
0xa0: {  	[tilespmem:s24+$0xC8C0] =	vst v1;
	v1 =	vmul.f32 $8.000000000e+00, v4  }
0xa1: {  	[tilespmem:s24+$0xC8D0] =	vst v0;
	v0 =	vmul.f32 $8.000000000e+00, v6  }
0xa2: {  	[tilespmem:s24+$0xC8E0] =	vst v1  }
0xa3: {  	s31 =	sadd.s32 $0xC80, s23;
	[tilespmem:s24+$0xC8F0] =	vst v0  }
0xa4: {  	[hbm4b:s31+s3] =	stream.linear.scatter [tilespmem:s13], [sflag:$0x5], $0x3200, $0x38;
	[tilespmem:$0x12C00] =	vst v63  }
0xa5: {  	_ =	swait.ge [sflag:s8], $0x3200  }
0xa6: {  	s22 =	sadd.s32 @!p0 $0x4B0, s22;
	[sflag:s8] =	ssyncset.done $0x0  }
0xa7: {  	s25 =	simm.s32 @!p0 $0xC800;
	s24 =	simm.s32 @!p0 $0xC8;
	[sflag:s8] =	ssyncadd.s32 $0xFFFFCE00  }
0xa8: {  	[tilespmem:s25], [sflag:$0x3] =	stream.indirect.gather @!p0 [hbm4b:s5+s24], $0x40, s22, s24, $0xb8;
	[tilespmem:$0x12C00] =	vst v63  }
0xa9: {  	_ =	swait.ge [sflag:s19], $0x3200  }
0xaa: {  	[sflag:s19] =	ssyncset.done $0x0  }
0xab: {  	s22 =	simm.s32 $0x0;
	[sflag:s19] =	ssyncadd.s32 $0xFFFFCE00  }
0xac: {  	v0 =	vld [tilespmem:s22+$0xFA00]  }
0xad: {  	v1 =	vld [tilespmem:s22+$0xFA10]  }
0xae: {  	v2 =	vld [tilespmem:s22+$0xFA20]  }
0xaf: {  	v3 =	vld [tilespmem:s22+$0xFA30]  }
0xb0: {  	v4 =	vld [tilespmem:s22+$0xFA40]  }
0xb1: {  	v5 =	vld [tilespmem:s22+$0xFA50];
	v0 =	vmul.f32 $8.000000000e+00, v0  }
0xb2: {  	v6 =	vld [tilespmem:s22+$0xFA60];
	v1 =	vmul.f32 $8.000000000e+00, v1  }
0xb3: {  	v7 =	vld [tilespmem:s22+$0xFA70];
	[tilespmem:s22+$0xFA00] =	vst v0;
	v0 =	vmul.f32 $8.000000000e+00, v2  }
0xb4: {  	v8 =	vld [tilespmem:s22+$0xFA80];
	[tilespmem:s22+$0xFA10] =	vst v1;
	v1 =	vmul.f32 $8.000000000e+00, v3  }
0xb5: {  	v9 =	vld [tilespmem:s22+$0xFA90];
	[tilespmem:s22+$0xFA20] =	vst v0;
	v0 =	vmul.f32 $8.000000000e+00, v4  }
0xb6: {  	v2 =	vmul.f32 $8.000000000e+00, v5;
	[tilespmem:s22+$0xFA30] =	vst v1;
	v1 =	vld [tilespmem:s22+$0xFAA0]  }
0xb7: {  	v3 =	vmul.f32 $8.000000000e+00, v6;
	[tilespmem:s22+$0xFA40] =	vst v0;
	v0 =	vld [tilespmem:s22+$0xFAB0]  }
0xb8: {  	[tilespmem:s22+$0xFA50] =	vst v2;
	v2 =	vld [tilespmem:s22+$0xFAC0];
	v4 =	vmul.f32 $8.000000000e+00, v7  }
0xb9: {  	v6 =	vmul.f32 $8.000000000e+00, v8;
	[tilespmem:s22+$0xFA60] =	vst v3;
	v3 =	vld [tilespmem:s22+$0xFAD0]  }
0xba: {  	s24 =	simm.s32 $0x400;
	v5 =	vmul.f32 $8.000000000e+00, v9;
	[tilespmem:s22+$0xFA70] =	vst v4;
	v4 =	vld [tilespmem:s22+$0xFAE0]  }
.LBB2_9:
0xbb: {  	s25 =	sshra.s32 s24, $0x2;
	p1 =	sne.s32 s24, $0xC400;
	[tilespmem:s22+$0xFA80] =	vst v6;
	v1 =	vmul.f32 $8.000000000e+00, v1;
	v6 =	vld [tilespmem:s22+$0xFAF0]  }
0xbc: {  	v7 =	vld [tilespmem:s25+$0xFA00];
	[tilespmem:s22+$0xFA90] =	vst v5;
	v0 =	vmul.f32 $8.000000000e+00, v0  }
0xbd: {  	v5 =	vld [tilespmem:s25+$0xFA10];
	[tilespmem:s22+$0xFAA0] =	vst v1;
	v1 =	vmul.f32 $8.000000000e+00, v2  }
0xbe: {  	v2 =	vld [tilespmem:s25+$0xFA20];
	[tilespmem:s22+$0xFAB0] =	vst v0;
	v0 =	vmul.f32 $8.000000000e+00, v3  }
0xbf: {  	v3 =	vld [tilespmem:s25+$0xFA30];
	[tilespmem:s22+$0xFAC0] =	vst v1;
	v1 =	vmul.f32 $8.000000000e+00, v4  }
0xc0: {  	v4 =	vld [tilespmem:s25+$0xFA40];
	[tilespmem:s22+$0xFAD0] =	vst v0;
	v0 =	vmul.f32 $8.000000000e+00, v6  }
0xc1: {  	v6 =	vmul.f32 $8.000000000e+00, v7;
	v7 =	vld [tilespmem:s25+$0xFA50];
	[tilespmem:s22+$0xFAE0] =	vst v1  }
0xc2: {  	v1 =	vmul.f32 $8.000000000e+00, v5;
	v5 =	vld [tilespmem:s25+$0xFA60];
	[tilespmem:s22+$0xFAF0] =	vst v0;
	s22 =	smov.u32 s25  }
0xc3: {  	[tilespmem:s22+$0xFA00] =	vst v6;
	v0 =	vmul.f32 $8.000000000e+00, v2;
	v2 =	vld [tilespmem:s22+$0xFA70]  }
0xc4: {  	[tilespmem:s22+$0xFA10] =	vst v1;
	v1 =	vmul.f32 $8.000000000e+00, v3;
	v3 =	vld [tilespmem:s22+$0xFA80]  }
0xc5: {  	[tilespmem:s22+$0xFA20] =	vst v0;
	v0 =	vmul.f32 $8.000000000e+00, v4;
	v4 =	vld [tilespmem:s22+$0xFA90]  }
.Ltmp5:
0xc6: {  	[tilespmem:s22+$0xFA30] =	vst v1;
	v6 =	vmul.f32 $8.000000000e+00, v7;
	v1 =	vld [tilespmem:s22+$0xFAA0];
	(pc) =	sbr.rel @p1 .LBB2_9-.Ltmp5, $4  }
0xc7: {  	[tilespmem:s22+$0xFA40] =	vst v0;
	v5 =	vmul.f32 $8.000000000e+00, v5;
	v0 =	vld [tilespmem:s22+$0xFAB0]  }
0xc8: {  	[tilespmem:s22+$0xFA50] =	vst v6;
	v7 =	vmul.f32 $8.000000000e+00, v2;
	v2 =	vld [tilespmem:s22+$0xFAC0]  }
0xc9: {  	[tilespmem:s22+$0xFA60] =	vst v5;
	v6 =	vmul.f32 $8.000000000e+00, v3;
	v3 =	vld [tilespmem:s22+$0xFAD0]  }
0xca: {  	s24 =	sadd.s32 $0x400, s24;
	[tilespmem:s22+$0xFA70] =	vst v7;
	v5 =	vmul.f32 $8.000000000e+00, v4;
	v4 =	vld [tilespmem:s22+$0xFAE0]  }
0xcb: {  	[tilespmem:s22+$0xFA80] =	vst v6;
	v1 =	vmul.f32 $8.000000000e+00, v1;
	v59 =	vld [tilespmem:s22+$0xFAF0]  }
0xcc: {  	[tilespmem:s22+$0xFA90] =	vst v5;
	v0 =	vmul.f32 $8.000000000e+00, v0  }
0xcd: {  	[tilespmem:s22+$0xFAA0] =	vst v1;
	v60 =	vmul.f32 $8.000000000e+00, v2  }
0xce: {  	[tilespmem:s22+$0xFAB0] =	vst v0;
	v61 =	vmul.f32 $8.000000000e+00, v3  }
0xcf: {  	[tilespmem:s22+$0xFAC0] =	vst v60;
	v62 =	vmul.f32 $8.000000000e+00, v4  }
0xd0: {  	[tilespmem:s22+$0xFAD0] =	vst v61;
	v63 =	vmul.f32 $8.000000000e+00, v59  }
0xd1: {  	[tilespmem:s22+$0xFAE0] =	vst v62  }
.Ltmp6:
0xd2: {  	s31 =	sadd.s32 $0x12C0, s23;
	[tilespmem:s22+$0xFAF0] =	vst v63;
	(pc) =	sbr.rel @p0 .LBB2_12-.Ltmp6, $4  }
0xd3: {  	[hbm4b:s31+s3] =	stream.linear.scatter [tilespmem:s15], [sflag:$0x5], $0x3200, $0x38;
	[tilespmem:$0x12C00] =	vst v63  }
0xd4: {  	_ =	swait.ge [sflag:s8], $0x3200  }
0xd5: {  	[sflag:s8] =	ssyncset.done $0x0  }
0xd6: {  	[sflag:s8] =	ssyncadd.s32 $0xFFFFCE00  }
0xd7: {  	s22 =	smul.u32 $0xC80, s21  }
.Ltmp7:
0xd8: {  	_ = 	snop;
	(pc) =	sbr.rel .LBB2_2-.Ltmp7, $4  }
0xd9: {  	_ = 	snop  }
0xda: {  	s22 =	sshra.s32 s22, $0x2  }
0xdb: {  	s21 =	sadd.s32 $0x1, s21;
	s22 =	sadd.s32 $0x578, s22  }
0xdc: {  	[tilespmem:s15], [sflag:$0x4] =	stream.indirect.gather [hbm4b:s5+s9], $0x40, s22, s9, $0xb8;
	[tilespmem:$0x12C00] =	vst v63  }
.LBB2_13:
0xdd: {  	_ =	sfence.sel $0x180000  }
0xde: {  	[bflag:$0x0] =	sbarrier.arrive $0xFFFF  }
0xdf: {  	p0 =	sne.s32 s0, $0x0;
	_ =	strace $0x90000047  }
0xe0: {  	s0 =	sadd.s32 @!p0 $0x100000, s1;
	[bflag:$0x2] =	sbarrier.arrive $0xFFFF  }
0xe1: {  	[sflag:s0] =	ssyncadd.tile.s32 @!p0 $0x1;
	_ =	shalt  }
.Lfunc_end2:
_tile_overlayer_lowered:
.L_overlay_start_2:
0xe2: {  	(tag) =	ssettag $0x2  }
0xe3: {  	s0 =	rddreg [dreg:$0x0];
	s2 =	stileid.u32  }
0xe4: {  	s1 =	rddreg [dreg:$0x1];
	p0 =	sne.s32 s2, $0x0  }
0xe5: {  	s3 =	rddreg [dreg:$0x2];
	[bflag:$0x3] =	sbarrier.arrive $0xFFFF;
	s2 =	simm.s32 @!p0 $0x1C05  }
0xe6: {  	[timem:s3], [sflag:s2] =	dma.local @!p0 [hbm:s0], s1  }
0xe7: {  	s0 =	simm.s32 @!p0 $0x5  }
0xe8: {  	_ =	swait.ge @!p0 [sflag:s0], s1  }
0xe9: {  	s1 =	ssub.s32 @!p0 $0x0, s1;
	[sflag:s0] =	ssyncset.done @!p0 $0x0  }
0xea: {  	[sflag:s0] =	ssyncadd.s32 @!p0 s1  }
0xeb: {  	[bflag:$0x3] =	sbarrier.arrive $0xFFFF  }
0xec: {  	_ =	shalt  }

// kernel: sparse-core-data-format-call.cloned.1.call-start
scs
called_computation_lowered:
.L_overlay_start_0:
0x0: {  	s2 =	sld [smem:$0x3FD9]  }
0x1: {  	s3 =	sld [smem:$0x3FFE];
	_ =	sdelay $0x1  }
0x2: {  	s1 =	srdreg.scid  }
0x3: {  	s0 =	sand.u32 $0x1, s1  }
0x4: {  	s18 =	sshll.u32 s0, $0xA;
	s2 =	sadd.s32 s3, s2  }
0x5: {  	s2 =	sadd.s32 s2, s18  }
0x6: {  	[smem:$0x3FC6] =	sst s2  }
0x7: {  	_ = 	snop  }
0x8: {  	s2 =	sld [smem:$0x3FD0];
	(tm) =	ssettm $0x1  }
0x9: {  	s19 =	sld [smem:$0x3FFB];
	_ =	sdelay $0x3  }
0xa: {  	_ =	strace s19  }
0xb: {  	s3 =	sld [smem:$0x3FFC];
	_ =	sdelay $0x3  }
0xc: {  	_ =	strace s3  }
0xd: {  	s3 =	sld [smem:$0x3FFD];
	_ =	sdelay $0x3  }
0xe: {  	_ =	strace s3  }
0xf: {  	_ =	strace $0x8FFFFFFF  }
0x10: {  	s20 =	sld [smem:$0x3FDB];
	_ =	sdelay $0x1  }
0x11: {  	s4 =	simm.s32 $_scs_section_size  }
0x12: {  	s5 =	simm.s32 $_size__tile_overlayer_lowered;
	s6 =	simm.s32 $_tile_overlayer_lowered  }
0x13: {  	s23 =	simm.s32 $0x1BFF;
	s22 =	sshll.u32 s6, $0x1;
	s3 =	sadd.s32 s4, s20  }
0x14: {  	s7 =	simm.s32 $0x0;
	s21 =	sshll.u32 s5, $0x1;
	s5 =	sadd.s32 s22, s3  }
0x15: {  	[timem:s7], [sflag:s23] =	dma.local [hbm:s5], s21  }
0x16: {  	_ =	swait.ge [sflag:s23], s21  }
0x17: {  	s4 =	ssub.s32 $0x0, s21;
	[sflag:s23] =	ssyncset.done $0x0  }
0x18: {  	[sflag:s23] =	ssyncadd.s32 s4;
	_ =	sdelay $0x1  }
0x19: {  	s24 =	simm.s32 $0x1B8B  }
0x1a: {  	_ =	swait.ge [sflag:s24], $0x1  }
0x1b: {  	[sflag:s24] =	ssyncset.done $0x0  }
0x1c: {  	s26 =	simm.s32 $0x1B8E;
	s25 =	sld [smem:$0x3FFE];
	[sflag:s24] =	ssyncadd.s32 $0xFFFFFFFF  }
0x1d: {  	s27 =	simm.s32 $execute0_lowered;
	[smem:$0x3FD2] =	sst s26  }
0x1e: {  	s5 =	sshll.u32 s27, $0x1;
	_ =	strace $0x80000049;
	[dreg:$0x1] =	wrdreg $0xFFFFFFFF  }
0x1f: {  	s28 =	simm.s32 $_size_execute0_lowered;
	s3 =	sadd.s32 s3, s5;
	[dreg:$0x0] =	wrdreg $0x0  }
0x20: {  	s5 =	sshll.u32 s28, $0x1;
	[dreg:$0x2] =	wrdreg s3  }
0x21: {  	[dreg:$0x3] =	wrdreg s5  }
0x22: {  	[dreg:$0x4] =	wrdreg $0xC0  }
0x23: {  	_ =	task [dreg:s7], $0x5FFFF  }
0x24: {  	[dreg:$0x1] =	wrdreg $0xFFFFFFFF  }
0x25: {  	[dreg:$0x0] =	wrdreg $0x60  }
0x26: {  	[dreg:$0x2] =	wrdreg s25  }
0x27: {  	[dreg:$0x3] =	wrdreg s2  }
0x28: {  	[dreg:$0x4] =	wrdreg $0x9  }
0x29: {  	_ =	task.clear_ibuf [dreg:s7], $0x5FFFF;
	_ =	strace $0x90000049  }
0x2a: {  	s29 =	simm.s32 $0x9;
	_ =	strace $0x8000004B  }
0x2b: {  	_ =	swait.ge [sflag:s29], $0x1  }
0x2c: {  	[sflag:s29] =	ssyncadd.s32 $0xFFFFFFFF  }
0x2d: {  	_ =	strace $0x9000004B  }
0x2e: {  	_ =	sfence  }
0x2f: {  	s30 =	sld [smem:$0x0];
	_ =	sdelay $0x2  }
0x30: {  	s31 =	sshll.u32 s1, $0xD;
	s1 =	sshrl.u32 s1, $0x2  }
0x31: {  	s3 =	sand.u32 $0x4000, s31;
	s1 =	sadd.s32 s1, s30  }
0x32: {  	s0 =	sor.u32 s3, s0;
	s1 =	sshll.u32 s1, $0x11  }
0x33: {  	s0 =	sor.u32 s1, s0  }
0x34: {  	s0 =	sadd.s32 $0x8F2B, s0  }
0x35: {  	[sflag:s0] =	ssyncadd.remote.s32 $0x1  }
0x36: {  	_ =	sfence.sel $0xFFFF  }
0x37: {  	[dreg:$0x0] =	wrdreg $0xFFFFFFFF;
	(pc) =	sbr.abs _section_cstart, $3  }
0x38: {  	[dreg:$0x1] =	wrdreg $0xFFFFFFFF  }
0x39: {  	_ =	task.clear_ibuf [dreg:s7], $0x2FFFF;
	_ =	strace $0x9FFFFFFF  }
0x3a: {  	(tm) =	ssettm $0x7FFFFFFF  }
0x3b: {  	_ =	shalt  }
tec
execute0_lowered:
.L_overlay_start_1:
0x0: {  	(tag) =	ssettag $0x1  }
0x1: {  	s0 =	srdreg.scid  }
0x2: {  	s1 =	sshll.u32 s0, $0x4  }
0x3: {  	s0 =	stileid.u32;
	s1 =	sand.u32 $0x10, s1  }
0x4: {  	s1 =	sor.u32 s0, s1  }
0x5: {  	s6 =	rddreg [dreg:$0x0];
	s4 =	simm.s32 $0x1;
	s2 =	sshll.u32 s1, $0x7  }
0x6: {  	s7 =	simm.s32 $0x2;
	s12 =	simm.s32 $0x0;
	s1 =	ssub.s32 $0x1000, s2  }
0x7: {  	s8 =	simm.s32 $0x8000;
	s13 =	simm.s32 $0x0;
	s3 =	sand.u32 $0xF80, s1  }
0x8: {  	s9 =	simm.s32 $0x0;
	s5 =	sshrl.u32 s1, $0xC;
	p0 =	sne.s32 s3, $0x0  }
.Ltmp0:
0x9: {  	s1 =	rddreg [dreg:$0x2];
	s4 =	simm.s32 @!p0 $0x0;
	(pc) =	sbr.rel .LBB1_1-.Ltmp0, $4  }
0xa: {  	s11 =	simm.s32 $0x0;
	s3 =	rddreg [dreg:$0x1];
	s5 =	sadd.s32 s4, s5  }
0xb: {  	_ =	strace $0x8000004A;
	s4 =	simm.s32 $0x1;
	s5 =	smul.u32 $0xC8, s5  }
0xc: {  	s6 =	sadd.s32 $0xA00, s6;
	s10 =	smov.u32 s2;
	[sflag:s4] =	ssyncpa.u1 $0x0  }
0xd: {  	p0 =	por $0x0, $0x0;
	[sflag:s7] =	ssyncpa.u1 $0x0;
	s7 =	sor.u32 $0x1, s5  }
.LBB1_4:
0xe: {  	s16 =	sshll.u32 s13, $0x3;
	s17 =	sand.u32 $0x78, s13  }
0xf: {  	s30 =	sand.u32 $0x7E00, s13;
	s12 =	sshll.u32 s12, $0xF;
	s16 =	sand.u32 $0xC00, s16  }
0x10: {  	[tilespmem:s15+$0x810 ss:$0x81] =	vst.msk $0xffff, v2;
	s31 =	sand.u32 $0x7, s13;
	s16 =	sor.u32 s17, s16;
	s17 =	sadd.s32 s3, s30  }
0x11: {  	[tilespmem:s15+$0x1020 ss:$0x81] =	vst.msk $0xffff, v0;
	s13 =	sshll.u32 s31, $0x12;
	s12 =	sadd.s32 s12, s17;
	s16 =	sshrl.u32 s16, $0x3  }
0x12: {  	[tilespmem:s15+$0x0 ss:$0x81] =	vst.msk $0xffff, v1;
	s13 =	sor.u32 $0x400, s13;
	s12 =	sadd.s32 s16, s12  }
0x13: {  	[hbm4b:s12+s13] =	stream.strided.scatter [tilespmem:s14], [sflag:$0x2], $0x2000, s8, s13, $0x20;
	[tilespmem:$0x8080] =	vst v63  }
.LBB1_5:
0x14: {  	s14 =	sadd.s32 $0x1, s9  }
0x15: {  	s12 =	sadd.s32 $0x1000, s10;
	s16 =	smov.u32 s10;
	p2 =	sgt.s32 s14, $0xC7  }
0x16: {  	s16 =	smov.u32 @p2 s12  }
0x17: {  	s14 =	simm.s32 @p2 $0x0;
	p2 =	sgt.s32 s16, $0xFFF  }
0x18: {  	s16 =	smov.u32 @p2 s2;
	p2 =	sne.s32 s11, s7  }
.Ltmp1:
0x19: {  	p1 =	slt.u32 s11, $0x2;
	(pc) =	sbr.rel @!p2 .LBB1_6-.Ltmp1, $4  }
0x1a: {  	s15 =	simm.s32 @!p1 $0x2  }
0x1b: {  	s13 =	smov.u32 s10;
	p0 =	por !p0, !p0;
	_ =	swait.ge @!p1 [sflag:s15], $0x2000  }
0x1c: {  	s12 =	smov.u32 s9;
	[sflag:s15] =	ssyncset.done @!p1 $0x0;
	s9 =	smov.u32 s14  }
0x1d: {  	s11 =	sadd.s32 $0x1, s11;
	[sflag:s15] =	ssyncadd.s32 @!p1 $0xFFFFE000;
	s10 =	smov.u32 s16  }
.LBB1_1:
0x1e: {  	p1 =	sge.u32 s11, s5  }
0x1f: {  	s14 =	sand.u32 @!p1 $0x1FFFFFF, s9  }
0x20: {  	s15 =	smulhi.u32 @!p1 $0x147AE15, s14;
	_ =	sdelay $0x1  }
0x21: {  	s15 =	smul.u32 @!p1 $0xC8, s15  }
0x22: {  	s16 =	sxor.u32 @!p1 $0xFFFFFFFF, s11;
	s17 =	smul.u32 @!p1 $0xC80, s10  }
0x23: {  	s31 =	sadd.s32 $0xFFFFFFFF, s11;
	s16 =	sshll.u32 @!p1 s16, $0xD;
	s14 =	ssub.s32 @!p1 s14, s15  }
0x24: {  	s15 =	sand.u32 @!p1 $0x2000, s16;
	s16 =	sadd.s32 @!p1 s6, s17;
	s14 =	sshll.u32 @!p1 s14, $0x4  }
0x25: {  	s17 =	simm.s32 @!p1 $0x6400;
	s14 =	sadd.s32 @!p1 s14, s16;
	s16 =	simm.s32 @!p1 $0x40  }
0x26: {  	[tilespmem:s15], [sflag:$0x1] =	stream.strided.gather @!p1 [hbm4b:s14+s16], $0x2000, s17, s16, $0x38;
	[tilespmem:$0x8080] =	vst v63  }
0x27: {  	p1 =	sge.u32 s31, s5  }
.Ltmp2:
0x28: {  	_ = 	snop;
	(pc) =	sbr.rel @p1 .LBB1_5-.Ltmp2, $1  }
0x29: {  	_ =	sdelay $0x3  }
0x2a: {  	s14 =	simm.s32 $0x1  }
0x2b: {  	_ =	swait.ge [sflag:s4], $0x2000;
	s14 =	simm.s32 @!p0 $0x0  }
0x2c: {  	[sflag:s4] =	ssyncset.done $0x0;
	s15 =	sshll.u32 s14, $0xD  }
0x2d: {  	[sflag:s4] =	ssyncadd.s32 $0xFFFFE000;
	s18 =	sor.u32 $0x20, s15  }
0x2e: {  	s14 =	smul.u32 $0x8100, s14;
	v3 =	vld [tilespmem:s18+$0x10]  }
0x2f: {  	s30 =	sand.u32 $0x1, s11;
	v2 =	vld [tilespmem:s18+$0xFFFFFFF0]  }
0x30: {  	s15 =	smul.u32 $0x8100, s30;
	s14 =	sshrl.u32 s14, $0x2;
	v0 =	vld [tilespmem:s18+$0x0]  }
0x31: {  	v1 =	vld [tilespmem:s18+$0xFFFFFFE0];
	s16 =	sor.u32 $0x4000, s14  }
0x32: {  	s31 =	sshrl.u32 s15, $0x2;
	s15 =	sadd.s32 $0x0, s16  }
0x33: {  	s17 =	simm.s32 $0x4;
	s18 =	sadd.s32 $0x40, s18;
	s14 =	sor.u32 $0x4000, s31;
	[tilespmem:s15+$0x1830 ss:$0x81] =	vst.msk $0xffff, v3  }
.LBB1_3:
0x34: {  	v3 =	vld [tilespmem:s18+$0x10];
	p1 =	sne.s32 s17, $0x1FC;
	[tilespmem:s15+$0x810 ss:$0x81] =	vst.msk $0xffff, v2;
	s19 =	smov.u32 s17;
	s17 =	sadd.s32 $0x4, s17  }
.Ltmp3:
0x35: {  	v2 =	vld [tilespmem:s18+$0xFFFFFFF0];
	[tilespmem:s15+$0x1020 ss:$0x81] =	vst.msk $0xffff, v0;
	(pc) =	sbr.rel @p1 .LBB1_3-.Ltmp3, $4  }
0x36: {  	v0 =	vld [tilespmem:s18+$0x0];
	[tilespmem:s15+$0x0 ss:$0x81] =	vst.msk $0xffff, v1  }
0x37: {  	s15 =	sshra.s32 s19, $0x2;
	v1 =	vld [tilespmem:s18+$0xFFFFFFE0]  }
0x38: {  	s15 =	sadd.s32 s15, s16  }
0x39: {  	s18 =	sadd.s32 $0x40, s18;
	[tilespmem:s15+$0x1830 ss:$0x81] =	vst.msk $0xffff, v3  }
.Ltmp4:
0x3a: {  	_ = 	snop;
	(pc) =	sbr.rel .LBB1_4-.Ltmp4, $1  }
0x3b: {  	_ =	sdelay $0x3  }
.LBB1_6:
0x3c: {  	_ =	sfence.sel $0x180000  }
0x3d: {  	s2 =	simm.s32 $0x1;
	[bflag:$0x0] =	sbarrier.arrive $0xFFFF  }
0x3e: {  	s31 =	simm.s32 $0x2;
	[sflag:s2] =	ssyncpa.u1 $0x1  }
0x3f: {  	[sflag:s31] =	ssyncpa.u1 $0x1  }
0x40: {  	p0 =	sne.s32 s0, $0x0;
	_ =	strace $0x9000004A  }
0x41: {  	s0 =	sadd.s32 @!p0 $0x100000, s1;
	[bflag:$0x2] =	sbarrier.arrive $0xFFFF  }
0x42: {  	[sflag:s0] =	ssyncadd.tile.s32 @!p0 $0x1;
	_ =	shalt  }
.Lfunc_end1:
_tile_overlayer_lowered:
.L_overlay_start_2:
0x43: {  	(tag) =	ssettag $0x2  }
0x44: {  	s0 =	rddreg [dreg:$0x0];
	s2 =	stileid.u32  }
0x45: {  	s1 =	rddreg [dreg:$0x1];
	p0 =	sne.s32 s2, $0x0  }
0x46: {  	s3 =	rddreg [dreg:$0x2];
	[bflag:$0x3] =	sbarrier.arrive $0xFFFF;
	s2 =	simm.s32 @!p0 $0x1C01  }
0x47: {  	[timem:s3], [sflag:s2] =	dma.local @!p0 [hbm:s0], s1  }
0x48: {  	s0 =	simm.s32 @!p0 $0x1  }
0x49: {  	_ =	swait.ge @!p0 [sflag:s0], s1  }
0x4a: {  	s1 =	ssub.s32 @!p0 $0x0, s1;
	[sflag:s0] =	ssyncset.done @!p0 $0x0  }
0x4b: {  	[sflag:s0] =	ssyncadd.s32 @!p0 s1  }
0x4c: {  	[bflag:$0x3] =	sbarrier.arrive $0xFFFF  }
0x4d: {  	_ =	shalt  }

</sc_bundles>
